<compile_context>
chip_gen: v7x
topology: tpu7x:2x2x1
jax: 0.10.2.dev20260603
libtpu: 0.0.44.dev20260713+nightly
codegen_flags: <defaults>
</compile_context>

<pallas_src>
import functools

import jax
import jax.numpy as jnp
from jax import lax
from jax.experimental import pallas as pl
from jax.experimental.pallas import tpu as pltpu
from jax.experimental.pallas import tpu_sc as plsc

_T, _D, _F, _E = 64, 2048, 4096, 8
_LANES = 16
_BF = 512


def _route_sc_body(lg_hbm, out_hbm, lt, ot):
    wid = lax.axis_index("s")

    @pl.when(wid < _T // _LANES)
    def _():
        pltpu.sync_copy(lg_hbm.at[wid], lt)
        v = [lt[pl.ds(e * _LANES, _LANES)] for e in range(_E)]
        m1 = v[0]
        for e in range(1, _E):
            m1 = jnp.maximum(m1, v[e])
        sent = jnp.full((_LANES,), _E, jnp.int32)
        idx1 = sent
        for e in range(_E):
            ev = jnp.full((_LANES,), e, jnp.int32)
            take = (v[e] == m1) & (idx1 == sent)
            idx1 = jnp.where(take, ev, idx1)
        neg = jnp.full((_LANES,), -jnp.inf, jnp.float32)
        m2 = neg
        for e in range(_E):
            ev = jnp.full((_LANES,), e, jnp.int32)
            m2 = jnp.maximum(m2, jnp.where(idx1 == ev, neg, v[e]))
        idx2 = sent
        for e in range(_E):
            ev = jnp.full((_LANES,), e, jnp.int32)
            take = (v[e] == m2) & (idx2 == sent) & (idx1 != ev)
            idx2 = jnp.where(take, ev, idx2)
        r2 = jnp.exp(m2 - m1)
        tot = r2 + 1.0
        w1v = 1.0 / tot
        w2v = r2 / tot
        zero = jnp.zeros((_LANES,), jnp.float32)
        for e in range(_E):
            ev = jnp.full((_LANES,), e, jnp.int32)
            ot[pl.ds(e * _LANES, _LANES)] = jnp.where(
                idx1 == ev, w1v, jnp.where(idx2 == ev, w2v, zero))
        for e in range(_E):
            pltpu.sync_copy(ot.at[pl.ds(e * _LANES, _LANES)],
                            out_hbm.at[e, 0, pl.ds(wid * _LANES, _LANES)])


def _route_sc(logits_chunks):
    mesh = plsc.VectorSubcoreMesh(core_axis_name="c", subcore_axis_name="s",
                                  num_cores=1)
    k = functools.partial(
        pl.kernel,
        mesh=mesh,
        out_type=jax.ShapeDtypeStruct((_E, 1, _T), jnp.float32),
        scratch_types=[
            pltpu.VMEM((_E * _LANES,), jnp.float32),
            pltpu.VMEM((_E * _LANES,), jnp.float32),
        ],
    )(_route_sc_body)
    return k(logits_chunks)


def _moe_tc_body(x_ref, w1_ref, w3_ref, w2_ref, out_ref):
    f = pl.program_id(1)

    @pl.when(f == 0)
    def _():
        out_ref[...] = jnp.zeros_like(out_ref)

    xb = x_ref[...]
    dn = (((1,), (1,)), ((), ()))
    h1 = lax.dot_general(xb, w1_ref[0], dn, preferred_element_type=jnp.float32)
    h3 = lax.dot_general(xb, w3_ref[0], dn, preferred_element_type=jnp.float32)
    h = h1 * lax.logistic(h1) * h3
    out_ref[0] += lax.dot_general(h, w2_ref[0], dn,
                                  preferred_element_type=jnp.float32)


def _moe_tc(x, w1_weight, w3_weight, w2_weight):
    grid = (_E, _F // _BF)
    return pl.pallas_call(
        _moe_tc_body,
        grid=grid,
        in_specs=[
            pl.BlockSpec((_T, _D), lambda e, f: (0, 0)),
            pl.BlockSpec((1, _BF, _D), lambda e, f: (e, f, 0)),
            pl.BlockSpec((1, _BF, _D), lambda e, f: (e, f, 0)),
            pl.BlockSpec((1, _D, _BF), lambda e, f: (e, 0, f)),
        ],
        out_specs=pl.BlockSpec((1, _T, _D), lambda e, f: (e, 0, 0)),
        out_shape=jax.ShapeDtypeStruct((_E, _T, _D), jnp.float32),
        compiler_params=pltpu.CompilerParams(
            dimension_semantics=("arbitrary", "arbitrary"),
        ),
    )(x, w1_weight, w3_weight, w2_weight)


def _combine_body(pe_ref, rt_ref, out_ref):
    dn = (((1,), (1,)), ((), ()))
    eye = (lax.broadcasted_iota(jnp.int32, (_T, _T), 0)
           == lax.broadcasted_iota(jnp.int32, (_T, _T), 1)).astype(jnp.float32)
    acc = jnp.zeros((_T, _D), jnp.float32)
    for e in range(_E):
        scale = lax.dot_general(eye, rt_ref[e], dn,
                                preferred_element_type=jnp.float32)
        acc = acc + pe_ref[e] * scale
    out_ref[...] = acc


def _combine_tc(per_expert, route):
    return pl.pallas_call(
        _combine_body,
        out_shape=jax.ShapeDtypeStruct((_T, _D), jnp.float32),
    )(per_expert, route)


def kernel(x, router_logits, w1_weight, w3_weight, w2_weight):
    nchunks = _T // _LANES
    lg = (router_logits.astype(jnp.float32)
          .reshape(nchunks, _LANES, _E).transpose(0, 2, 1).reshape(nchunks, -1))
    route = _route_sc(lg)
    per_expert = _moe_tc(x, w1_weight, w3_weight, w2_weight)
    return _combine_tc(per_expert, route)

# --- scband reference (transcript-rebuilt; emitter-appended) ---
"""Pipeline reference for scband-mixtral-block-sparse-top2-mlp-4398046511748 (READ-ONLY COPY).

The authoritative reference and input builder live on the scoring server;
editing this copy changes nothing except your own understanding.
"""

import jax, jax.numpy as jnp
import numpy as np

TOP_K = 2
T, D, F, E = 64, 2048, 4096, 8


def setup_inputs(seed: int = 0) -> dict:
    key = jax.random.key(seed)
    ks = jax.random.split(key, 5)
    x = jax.random.normal(ks[0], (T, D), dtype=jnp.float32)
    router_logits = jax.random.normal(ks[1], (T, E), dtype=jnp.float32)
    w1_weight = jax.random.normal(ks[2], (E, F, D), dtype=jnp.float32) * 0.02
    w3_weight = jax.random.normal(ks[3], (E, F, D), dtype=jnp.float32) * 0.02
    w2_weight = jax.random.normal(ks[4], (E, D, F), dtype=jnp.float32) * 0.02
    return {"x": x, "router_logits": router_logits, "w1_weight": w1_weight, "w3_weight": w3_weight, "w2_weight": w2_weight}


def reference(x, router_logits, w1_weight, w3_weight, w2_weight):
    # custom_moe_glu(x, w1, w3, w2, router_logits, top_k, normalize=True)
    # Mixtral routing: softmax over all expert logits, take top-k, renormalize (True flag)
    t, e = router_logits.shape
    probs = jax.nn.softmax(router_logits.astype(jnp.float32), axis=-1)
    topk_vals, topk_idx = jax.lax.top_k(probs, TOP_K)
    topk_vals = topk_vals / jnp.sum(topk_vals, axis=-1, keepdims=True)
    # scatter routing weights back to dense [T, E] map (zeros for non-selected experts)
    route_w = jnp.zeros((t, e), dtype=x.dtype).at[jnp.arange(t)[:, None], topk_idx].set(topk_vals.astype(x.dtype))
    # per-expert GLU FFN: out_e = (silu(x @ w1_e^T) * (x @ w3_e^T)) @ w2_e^T
    h1 = jnp.einsum('td,efd->tef', x, w1_weight)
    h3 = jnp.einsum('td,efd->tef', x, w3_weight)
    h = jax.nn.silu(h1) * h3
    out_per_expert = jnp.einsum('tef,edf->ted', h, w2_weight)
    # weighted combine over selected experts (non-selected have weight 0)
    out = jnp.einsum('ted,te->td', out_per_expert, route_w)
    return out

if __name__ == "__main__":
    import jax
    _d = setup_inputs()
    print(jax.jit(kernel)(*tuple(_d.values())))

</pallas_src>

<mosaic_0001>
#map = affine_map<(d0, d1) -> (0, 0)>
#map1 = affine_map<(d0, d1) -> (0, 0, 0)>
module attributes {stable_mosaic.version = 14 : i64} {
  func.func @_route_sc_body(%arg0: i32, %arg1: i32, %arg2: memref<4x128xf32, #tpu.memory_space<hbm>>, %arg3: memref<8x1x64xf32, #tpu.memory_space<hbm>>, %arg4: memref<128xf32, #tpu.memory_space<vmem>>, %arg5: memref<128xf32, #tpu.memory_space<vmem>>) attributes {dimension_semantics = [#tpu.dimension_semantics<core_parallel>, #tpu.dimension_semantics<subcore_parallel>], iteration_bounds = array<i64: 1, 16>, scalar_prefetch = 0 : i64, scratch_operands = 2 : i64, tpu.core_type = #tpu.core_type<sc_vector_subcore>, window_params = [{transform_indices = #map}, {transform_indices = #map1}]} {
    %lt3A = arith.constant 4 : i32
    %lt3A_0 = arith.cmpi slt, %arg1, %lt3A : i32
    %convert_element_type3A = arith.extui %lt3A_0 : i1 to i32
    %cond3A = arith.constant 0 : i32
    %cond3A_1 = arith.cmpi ne, %convert_element_type3A, %cond3A : i32
    scf.if %cond3A_1 {
      "tpu.region"() ({
        %run_scoped3A_298 = tpu.sem_alloc : memref<!tpu.dma_semaphore, #tpu.memory_space<semaphore_mem>>
        %dma_start3A = arith.constant 0 : i32
        %dma_start3A_299 = tpu.memref_slice %arg2[%arg1, %dma_start3A] : memref<4x128xf32, #tpu.memory_space<hbm>> -> memref<1x128xf32, #tpu.memory_space<hbm>>
        %dma_start3A_300 = tpu.memref_squeeze %dma_start3A_299 : memref<1x128xf32, #tpu.memory_space<hbm>> -> memref<128xf32, #tpu.memory_space<hbm>>
        %dma_start3A_301 = arith.constant 0 : i32
        %dma_start3A_302 = tpu.memref_slice %arg2[%arg1, %dma_start3A_301] : memref<4x128xf32, #tpu.memory_space<hbm>> -> memref<1x128xf32, #tpu.memory_space<hbm>>
        %dma_start3A_303 = tpu.memref_squeeze %dma_start3A_302 : memref<1x128xf32, #tpu.memory_space<hbm>> -> memref<128xf32, #tpu.memory_space<hbm>>
        tpu.enqueue_dma source(%dma_start3A_303 : memref<128xf32, #tpu.memory_space<hbm>>) target(%arg4 : memref<128xf32, #tpu.memory_space<vmem>>) target_semaphore(%run_scoped3A_298 : memref<!tpu.dma_semaphore, #tpu.memory_space<semaphore_mem>>)
        %dma_wait3A = arith.constant 0 : i32
        %dma_wait3A_304 = tpu.memref_slice %arg2[%arg1, %dma_wait3A] : memref<4x128xf32, #tpu.memory_space<hbm>> -> memref<1x128xf32, #tpu.memory_space<hbm>>
        %dma_wait3A_305 = tpu.memref_squeeze %dma_wait3A_304 : memref<1x128xf32, #tpu.memory_space<hbm>> -> memref<128xf32, #tpu.memory_space<hbm>>
        %dma_wait3A_306 = arith.constant 0 : i32
        %dma_wait3A_307 = tpu.memref_slice %arg2[%arg1, %dma_wait3A_306] : memref<4x128xf32, #tpu.memory_space<hbm>> -> memref<1x128xf32, #tpu.memory_space<hbm>>
        %dma_wait3A_308 = tpu.memref_squeeze %dma_wait3A_307 : memref<1x128xf32, #tpu.memory_space<hbm>> -> memref<128xf32, #tpu.memory_space<hbm>>
        tpu.wait_dma2 semaphore(%run_scoped3A_298 : memref<!tpu.dma_semaphore, #tpu.memory_space<semaphore_mem>>) src(%dma_wait3A_308 : memref<128xf32, #tpu.memory_space<hbm>>) dst(%arg4 : memref<128xf32, #tpu.memory_space<vmem>>)
        tpu.yield
      }) : () -> ()
      %get3A = arith.constant 0 : index
      %get3A_2 = tpu.vector_load %arg4[%get3A] {strides = array<i32>} : memref<128xf32, #tpu.memory_space<vmem>>, vector<16xf32>,
      %get3A_3 = vector.shape_cast %get3A_2 : vector<16xf32> to vector<16xf32>
      %get3A_4 = arith.constant 16 : index
      %get3A_5 = tpu.vector_load %arg4[%get3A_4] {strides = array<i32>} : memref<128xf32, #tpu.memory_space<vmem>>, vector<16xf32>,
      %get3A_6 = vector.shape_cast %get3A_5 : vector<16xf32> to vector<16xf32>
      %get3A_7 = arith.constant 32 : index
      %get3A_8 = tpu.vector_load %arg4[%get3A_7] {strides = array<i32>} : memref<128xf32, #tpu.memory_space<vmem>>, vector<16xf32>,
      %get3A_9 = vector.shape_cast %get3A_8 : vector<16xf32> to vector<16xf32>
      %get3A_10 = arith.constant 48 : index
      %get3A_11 = tpu.vector_load %arg4[%get3A_10] {strides = array<i32>} : memref<128xf32, #tpu.memory_space<vmem>>, vector<16xf32>,
      %get3A_12 = vector.shape_cast %get3A_11 : vector<16xf32> to vector<16xf32>
      %get3A_13 = arith.constant 64 : index
      %get3A_14 = tpu.vector_load %arg4[%get3A_13] {strides = array<i32>} : memref<128xf32, #tpu.memory_space<vmem>>, vector<16xf32>,
      %get3A_15 = vector.shape_cast %get3A_14 : vector<16xf32> to vector<16xf32>
      %get3A_16 = arith.constant 80 : index
      %get3A_17 = tpu.vector_load %arg4[%get3A_16] {strides = array<i32>} : memref<128xf32, #tpu.memory_space<vmem>>, vector<16xf32>,
      %get3A_18 = vector.shape_cast %get3A_17 : vector<16xf32> to vector<16xf32>
      %get3A_19 = arith.constant 96 : index
      %get3A_20 = tpu.vector_load %arg4[%get3A_19] {strides = array<i32>} : memref<128xf32, #tpu.memory_space<vmem>>, vector<16xf32>,
      %get3A_21 = vector.shape_cast %get3A_20 : vector<16xf32> to vector<16xf32>
      %get3A_22 = arith.constant 112 : index
      %get3A_23 = tpu.vector_load %arg4[%get3A_22] {strides = array<i32>} : memref<128xf32, #tpu.memory_space<vmem>>, vector<16xf32>,
      %get3A_24 = vector.shape_cast %get3A_23 : vector<16xf32> to vector<16xf32>
      %max3A = arith.maximumf %get3A_3, %get3A_6 : vector<16xf32>
      %max3A_25 = arith.maximumf %max3A, %get3A_9 : vector<16xf32>
      %max3A_26 = arith.maximumf %max3A_25, %get3A_12 : vector<16xf32>
      %max3A_27 = arith.maximumf %max3A_26, %get3A_15 : vector<16xf32>
      %max3A_28 = arith.maximumf %max3A_27, %get3A_18 : vector<16xf32>
      %max3A_29 = arith.maximumf %max3A_28, %get3A_21 : vector<16xf32>
      %max3A_30 = arith.maximumf %max3A_29, %get3A_24 : vector<16xf32>
      %broadcast_in_dim3A = arith.constant 8 : i32
      %broadcast_in_dim3A_31 = vector.broadcast %broadcast_in_dim3A : i32 to vector<16xi32>
      %broadcast_in_dim3A_32 = arith.constant 0 : i32
      %broadcast_in_dim3A_33 = vector.broadcast %broadcast_in_dim3A_32 : i32 to vector<16xi32>
      %eq3A = arith.cmpf oeq, %get3A_3, %max3A_30 : vector<16xf32>
      %eq3A_34 = arith.cmpi eq, %broadcast_in_dim3A_31, %broadcast_in_dim3A_31 : vector<16xi32>
      %and3A = arith.andi %eq3A, %eq3A_34 : vector<16xi1>
      %select_n3A = arith.select %and3A, %broadcast_in_dim3A_33, %broadcast_in_dim3A_31 : vector<16xi1>, vector<16xi32>
      %broadcast_in_dim3A_35 = arith.constant 1 : i32
      %broadcast_in_dim3A_36 = vector.broadcast %broadcast_in_dim3A_35 : i32 to vector<16xi32>
      %eq3A_37 = arith.cmpf oeq, %get3A_6, %max3A_30 : vector<16xf32>
      %eq3A_38 = arith.cmpi eq, %select_n3A, %broadcast_in_dim3A_31 : vector<16xi32>
      %and3A_39 = arith.andi %eq3A_37, %eq3A_38 : vector<16xi1>
      %select_n3A_40 = arith.select %and3A_39, %broadcast_in_dim3A_36, %select_n3A : vector<16xi1>, vector<16xi32>
      %broadcast_in_dim3A_41 = arith.constant 2 : i32
      %broadcast_in_dim3A_42 = vector.broadcast %broadcast_in_dim3A_41 : i32 to vector<16xi32>
      %eq3A_43 = arith.cmpf oeq, %get3A_9, %max3A_30 : vector<16xf32>
      %eq3A_44 = arith.cmpi eq, %select_n3A_40, %broadcast_in_dim3A_31 : vector<16xi32>
      %and3A_45 = arith.andi %eq3A_43, %eq3A_44 : vector<16xi1>
      %select_n3A_46 = arith.select %and3A_45, %broadcast_in_dim3A_42, %select_n3A_40 : vector<16xi1>, vector<16xi32>
      %broadcast_in_dim3A_47 = arith.constant 3 : i32
      %broadcast_in_dim3A_48 = vector.broadcast %broadcast_in_dim3A_47 : i32 to vector<16xi32>
      %eq3A_49 = arith.cmpf oeq, %get3A_12, %max3A_30 : vector<16xf32>
      %eq3A_50 = arith.cmpi eq, %select_n3A_46, %broadcast_in_dim3A_31 : vector<16xi32>
      %and3A_51 = arith.andi %eq3A_49, %eq3A_50 : vector<16xi1>
      %select_n3A_52 = arith.select %and3A_51, %broadcast_in_dim3A_48, %select_n3A_46 : vector<16xi1>, vector<16xi32>
      %broadcast_in_dim3A_53 = arith.constant 4 : i32
      %broadcast_in_dim3A_54 = vector.broadcast %broadcast_in_dim3A_53 : i32 to vector<16xi32>
      %eq3A_55 = arith.cmpf oeq, %get3A_15, %max3A_30 : vector<16xf32>
      %eq3A_56 = arith.cmpi eq, %select_n3A_52, %broadcast_in_dim3A_31 : vector<16xi32>
      %and3A_57 = arith.andi %eq3A_55, %eq3A_56 : vector<16xi1>
      %select_n3A_58 = arith.select %and3A_57, %broadcast_in_dim3A_54, %select_n3A_52 : vector<16xi1>, vector<16xi32>
      %broadcast_in_dim3A_59 = arith.constant 5 : i32
      %broadcast_in_dim3A_60 = vector.broadcast %broadcast_in_dim3A_59 : i32 to vector<16xi32>
      %eq3A_61 = arith.cmpf oeq, %get3A_18, %max3A_30 : vector<16xf32>
      %eq3A_62 = arith.cmpi eq, %select_n3A_58, %broadcast_in_dim3A_31 : vector<16xi32>
      %and3A_63 = arith.andi %eq3A_61, %eq3A_62 : vector<16xi1>
      %select_n3A_64 = arith.select %and3A_63, %broadcast_in_dim3A_60, %select_n3A_58 : vector<16xi1>, vector<16xi32>
      %broadcast_in_dim3A_65 = arith.constant 6 : i32
      %broadcast_in_dim3A_66 = vector.broadcast %broadcast_in_dim3A_65 : i32 to vector<16xi32>
      %eq3A_67 = arith.cmpf oeq, %get3A_21, %max3A_30 : vector<16xf32>
      %eq3A_68 = arith.cmpi eq, %select_n3A_64, %broadcast_in_dim3A_31 : vector<16xi32>
      %and3A_69 = arith.andi %eq3A_67, %eq3A_68 : vector<16xi1>
      %select_n3A_70 = arith.select %and3A_69, %broadcast_in_dim3A_66, %select_n3A_64 : vector<16xi1>, vector<16xi32>
      %broadcast_in_dim3A_71 = arith.constant 7 : i32
      %broadcast_in_dim3A_72 = vector.broadcast %broadcast_in_dim3A_71 : i32 to vector<16xi32>
      %eq3A_73 = arith.cmpf oeq, %get3A_24, %max3A_30 : vector<16xf32>
      %eq3A_74 = arith.cmpi eq, %select_n3A_70, %broadcast_in_dim3A_31 : vector<16xi32>
      %and3A_75 = arith.andi %eq3A_73, %eq3A_74 : vector<16xi1>
      %select_n3A_76 = arith.select %and3A_75, %broadcast_in_dim3A_72, %select_n3A_70 : vector<16xi1>, vector<16xi32>
      %broadcast_in_dim3A_77 = arith.constant 0xFF800000 : f32
      %broadcast_in_dim3A_78 = vector.broadcast %broadcast_in_dim3A_77 : f32 to vector<16xf32>
      %broadcast_in_dim3A_79 = arith.constant 0 : i32
      %broadcast_in_dim3A_80 = vector.broadcast %broadcast_in_dim3A_79 : i32 to vector<16xi32>
      %eq3A_81 = arith.cmpi eq, %select_n3A_76, %broadcast_in_dim3A_80 : vector<16xi32>
      %select_n3A_82 = arith.select %eq3A_81, %broadcast_in_dim3A_78, %get3A_3 : vector<16xi1>, vector<16xf32>
      %max3A_83 = arith.maximumf %broadcast_in_dim3A_78, %select_n3A_82 : vector<16xf32>
      %broadcast_in_dim3A_84 = arith.constant 1 : i32
      %broadcast_in_dim3A_85 = vector.broadcast %broadcast_in_dim3A_84 : i32 to vector<16xi32>
      %eq3A_86 = arith.cmpi eq, %select_n3A_76, %broadcast_in_dim3A_85 : vector<16xi32>
      %select_n3A_87 = arith.select %eq3A_86, %broadcast_in_dim3A_78, %get3A_6 : vector<16xi1>, vector<16xf32>
      %max3A_88 = arith.maximumf %max3A_83, %select_n3A_87 : vector<16xf32>
      %broadcast_in_dim3A_89 = arith.constant 2 : i32
      %broadcast_in_dim3A_90 = vector.broadcast %broadcast_in_dim3A_89 : i32 to vector<16xi32>
      %eq3A_91 = arith.cmpi eq, %select_n3A_76, %broadcast_in_dim3A_90 : vector<16xi32>
      %select_n3A_92 = arith.select %eq3A_91, %broadcast_in_dim3A_78, %get3A_9 : vector<16xi1>, vector<16xf32>
      %max3A_93 = arith.maximumf %max3A_88, %select_n3A_92 : vector<16xf32>
      %broadcast_in_dim3A_94 = arith.constant 3 : i32
      %broadcast_in_dim3A_95 = vector.broadcast %broadcast_in_dim3A_94 : i32 to vector<16xi32>
      %eq3A_96 = arith.cmpi eq, %select_n3A_76, %broadcast_in_dim3A_95 : vector<16xi32>
      %select_n3A_97 = arith.select %eq3A_96, %broadcast_in_dim3A_78, %get3A_12 : vector<16xi1>, vector<16xf32>
      %max3A_98 = arith.maximumf %max3A_93, %select_n3A_97 : vector<16xf32>
      %broadcast_in_dim3A_99 = arith.constant 4 : i32
      %broadcast_in_dim3A_100 = vector.broadcast %broadcast_in_dim3A_99 : i32 to vector<16xi32>
      %eq3A_101 = arith.cmpi eq, %select_n3A_76, %broadcast_in_dim3A_100 : vector<16xi32>
      %select_n3A_102 = arith.select %eq3A_101, %broadcast_in_dim3A_78, %get3A_15 : vector<16xi1>, vector<16xf32>
      %max3A_103 = arith.maximumf %max3A_98, %select_n3A_102 : vector<16xf32>
      %broadcast_in_dim3A_104 = arith.constant 5 : i32
      %broadcast_in_dim3A_105 = vector.broadcast %broadcast_in_dim3A_104 : i32 to vector<16xi32>
      %eq3A_106 = arith.cmpi eq, %select_n3A_76, %broadcast_in_dim3A_105 : vector<16xi32>
      %select_n3A_107 = arith.select %eq3A_106, %broadcast_in_dim3A_78, %get3A_18 : vector<16xi1>, vector<16xf32>
      %max3A_108 = arith.maximumf %max3A_103, %select_n3A_107 : vector<16xf32>
      %broadcast_in_dim3A_109 = arith.constant 6 : i32
      %broadcast_in_dim3A_110 = vector.broadcast %broadcast_in_dim3A_109 : i32 to vector<16xi32>
      %eq3A_111 = arith.cmpi eq, %select_n3A_76, %broadcast_in_dim3A_110 : vector<16xi32>
      %select_n3A_112 = arith.select %eq3A_111, %broadcast_in_dim3A_78, %get3A_21 : vector<16xi1>, vector<16xf32>
      %max3A_113 = arith.maximumf %max3A_108, %select_n3A_112 : vector<16xf32>
      %broadcast_in_dim3A_114 = arith.constant 7 : i32
      %broadcast_in_dim3A_115 = vector.broadcast %broadcast_in_dim3A_114 : i32 to vector<16xi32>
      %eq3A_116 = arith.cmpi eq, %select_n3A_76, %broadcast_in_dim3A_115 : vector<16xi32>
      %select_n3A_117 = arith.select %eq3A_116, %broadcast_in_dim3A_78, %get3A_24 : vector<16xi1>, vector<16xf32>
      %max3A_118 = arith.maximumf %max3A_113, %select_n3A_117 : vector<16xf32>
      %broadcast_in_dim3A_119 = arith.constant 0 : i32
      %broadcast_in_dim3A_120 = vector.broadcast %broadcast_in_dim3A_119 : i32 to vector<16xi32>
      %eq3A_121 = arith.cmpf oeq, %get3A_3, %max3A_118 : vector<16xf32>
      %eq3A_122 = arith.cmpi eq, %broadcast_in_dim3A_31, %broadcast_in_dim3A_31 : vector<16xi32>
      %and3A_123 = arith.andi %eq3A_121, %eq3A_122 : vector<16xi1>
      %ne3A = arith.cmpi ne, %select_n3A_76, %broadcast_in_dim3A_120 : vector<16xi32>
      %and3A_124 = arith.andi %and3A_123, %ne3A : vector<16xi1>
      %select_n3A_125 = arith.select %and3A_124, %broadcast_in_dim3A_120, %broadcast_in_dim3A_31 : vector<16xi1>, vector<16xi32>
      %broadcast_in_dim3A_126 = arith.constant 1 : i32
      %broadcast_in_dim3A_127 = vector.broadcast %broadcast_in_dim3A_126 : i32 to vector<16xi32>
      %eq3A_128 = arith.cmpf oeq, %get3A_6, %max3A_118 : vector<16xf32>
      %eq3A_129 = arith.cmpi eq, %select_n3A_125, %broadcast_in_dim3A_31 : vector<16xi32>
      %and3A_130 = arith.andi %eq3A_128, %eq3A_129 : vector<16xi1>
      %ne3A_131 = arith.cmpi ne, %select_n3A_76, %broadcast_in_dim3A_127 : vector<16xi32>
      %and3A_132 = arith.andi %and3A_130, %ne3A_131 : vector<16xi1>
      %select_n3A_133 = arith.select %and3A_132, %broadcast_in_dim3A_127, %select_n3A_125 : vector<16xi1>, vector<16xi32>
      %broadcast_in_dim3A_134 = arith.constant 2 : i32
      %broadcast_in_dim3A_135 = vector.broadcast %broadcast_in_dim3A_134 : i32 to vector<16xi32>
      %eq3A_136 = arith.cmpf oeq, %get3A_9, %max3A_118 : vector<16xf32>
      %eq3A_137 = arith.cmpi eq, %select_n3A_133, %broadcast_in_dim3A_31 : vector<16xi32>
      %and3A_138 = arith.andi %eq3A_136, %eq3A_137 : vector<16xi1>
      %ne3A_139 = arith.cmpi ne, %select_n3A_76, %broadcast_in_dim3A_135 : vector<16xi32>
      %and3A_140 = arith.andi %and3A_138, %ne3A_139 : vector<16xi1>
      %select_n3A_141 = arith.select %and3A_140, %broadcast_in_dim3A_135, %select_n3A_133 : vector<16xi1>, vector<16xi32>
      %broadcast_in_dim3A_142 = arith.constant 3 : i32
      %broadcast_in_dim3A_143 = vector.broadcast %broadcast_in_dim3A_142 : i32 to vector<16xi32>
      %eq3A_144 = arith.cmpf oeq, %get3A_12, %max3A_118 : vector<16xf32>
      %eq3A_145 = arith.cmpi eq, %select_n3A_141, %broadcast_in_dim3A_31 : vector<16xi32>
      %and3A_146 = arith.andi %eq3A_144, %eq3A_145 : vector<16xi1>
      %ne3A_147 = arith.cmpi ne, %select_n3A_76, %broadcast_in_dim3A_143 : vector<16xi32>
      %and3A_148 = arith.andi %and3A_146, %ne3A_147 : vector<16xi1>
      %select_n3A_149 = arith.select %and3A_148, %broadcast_in_dim3A_143, %select_n3A_141 : vector<16xi1>, vector<16xi32>
      %broadcast_in_dim3A_150 = arith.constant 4 : i32
      %broadcast_in_dim3A_151 = vector.broadcast %broadcast_in_dim3A_150 : i32 to vector<16xi32>
      %eq3A_152 = arith.cmpf oeq, %get3A_15, %max3A_118 : vector<16xf32>
      %eq3A_153 = arith.cmpi eq, %select_n3A_149, %broadcast_in_dim3A_31 : vector<16xi32>
      %and3A_154 = arith.andi %eq3A_152, %eq3A_153 : vector<16xi1>
      %ne3A_155 = arith.cmpi ne, %select_n3A_76, %broadcast_in_dim3A_151 : vector<16xi32>
      %and3A_156 = arith.andi %and3A_154, %ne3A_155 : vector<16xi1>
      %select_n3A_157 = arith.select %and3A_156, %broadcast_in_dim3A_151, %select_n3A_149 : vector<16xi1>, vector<16xi32>
      %broadcast_in_dim3A_158 = arith.constant 5 : i32
      %broadcast_in_dim3A_159 = vector.broadcast %broadcast_in_dim3A_158 : i32 to vector<16xi32>
      %eq3A_160 = arith.cmpf oeq, %get3A_18, %max3A_118 : vector<16xf32>
      %eq3A_161 = arith.cmpi eq, %select_n3A_157, %broadcast_in_dim3A_31 : vector<16xi32>
      %and3A_162 = arith.andi %eq3A_160, %eq3A_161 : vector<16xi1>
      %ne3A_163 = arith.cmpi ne, %select_n3A_76, %broadcast_in_dim3A_159 : vector<16xi32>
      %and3A_164 = arith.andi %and3A_162, %ne3A_163 : vector<16xi1>
      %select_n3A_165 = arith.select %and3A_164, %broadcast_in_dim3A_159, %select_n3A_157 : vector<16xi1>, vector<16xi32>
      %broadcast_in_dim3A_166 = arith.constant 6 : i32
      %broadcast_in_dim3A_167 = vector.broadcast %broadcast_in_dim3A_166 : i32 to vector<16xi32>
      %eq3A_168 = arith.cmpf oeq, %get3A_21, %max3A_118 : vector<16xf32>
      %eq3A_169 = arith.cmpi eq, %select_n3A_165, %broadcast_in_dim3A_31 : vector<16xi32>
      %and3A_170 = arith.andi %eq3A_168, %eq3A_169 : vector<16xi1>
      %ne3A_171 = arith.cmpi ne, %select_n3A_76, %broadcast_in_dim3A_167 : vector<16xi32>
      %and3A_172 = arith.andi %and3A_170, %ne3A_171 : vector<16xi1>
      %select_n3A_173 = arith.select %and3A_172, %broadcast_in_dim3A_167, %select_n3A_165 : vector<16xi1>, vector<16xi32>
      %broadcast_in_dim3A_174 = arith.constant 7 : i32
      %broadcast_in_dim3A_175 = vector.broadcast %broadcast_in_dim3A_174 : i32 to vector<16xi32>
      %eq3A_176 = arith.cmpf oeq, %get3A_24, %max3A_118 : vector<16xf32>
      %eq3A_177 = arith.cmpi eq, %select_n3A_173, %broadcast_in_dim3A_31 : vector<16xi32>
      %and3A_178 = arith.andi %eq3A_176, %eq3A_177 : vector<16xi1>
      %ne3A_179 = arith.cmpi ne, %select_n3A_76, %broadcast_in_dim3A_175 : vector<16xi32>
      %and3A_180 = arith.andi %and3A_178, %ne3A_179 : vector<16xi1>
      %select_n3A_181 = arith.select %and3A_180, %broadcast_in_dim3A_175, %select_n3A_173 : vector<16xi1>, vector<16xi32>
      %sub3A = arith.subf %max3A_118, %max3A_30 : vector<16xf32>
      %exp3A = math.exp %sub3A : vector<16xf32>
      %add3A = arith.constant 1.000000e+00 : f32
      %add3A_182 = vector.broadcast %add3A : f32 to vector<16xf32>
      %add3A_183 = arith.addf %exp3A, %add3A_182 : vector<16xf32>
      %div3A = arith.constant 1.000000e+00 : f32
      %div3A_184 = vector.broadcast %div3A : f32 to vector<16xf32>
      %div3A_185 = arith.divf %div3A_184, %add3A_183 : vector<16xf32>
      %div3A_186 = arith.divf %exp3A, %add3A_183 : vector<16xf32>
      %broadcast_in_dim3A_187 = arith.constant 0.000000e+00 : f32
      %broadcast_in_dim3A_188 = vector.broadcast %broadcast_in_dim3A_187 : f32 to vector<16xf32>
      %broadcast_in_dim3A_189 = arith.constant 0 : i32
      %broadcast_in_dim3A_190 = vector.broadcast %broadcast_in_dim3A_189 : i32 to vector<16xi32>
      %eq3A_191 = arith.cmpi eq, %select_n3A_76, %broadcast_in_dim3A_190 : vector<16xi32>
      %eq3A_192 = arith.cmpi eq, %select_n3A_181, %broadcast_in_dim3A_190 : vector<16xi32>
      %select_n3A_193 = arith.select %eq3A_192, %div3A_186, %broadcast_in_dim3A_188 : vector<16xi1>, vector<16xf32>
      %select_n3A_194 = arith.select %eq3A_191, %div3A_185, %select_n3A_193 : vector<16xi1>, vector<16xf32>
      %swap3A = arith.constant 0 : index
      %swap3A_195 = tpu.vector_load %arg5[%swap3A] {strides = array<i32>} : memref<128xf32, #tpu.memory_space<vmem>>, vector<16xf32>,
      %swap3A_196 = vector.shape_cast %swap3A_195 : vector<16xf32> to vector<16xf32>
      %swap3A_197 = vector.shape_cast %select_n3A_194 : vector<16xf32> to vector<16xf32>
      tpu.vector_store %arg5[%swap3A], %swap3A_197 {strides = array<i32>} : memref<128xf32, #tpu.memory_space<vmem>>, vector<16xf32>,
      %broadcast_in_dim3A_198 = arith.constant 1 : i32
      %broadcast_in_dim3A_199 = vector.broadcast %broadcast_in_dim3A_198 : i32 to vector<16xi32>
      %eq3A_200 = arith.cmpi eq, %select_n3A_76, %broadcast_in_dim3A_199 : vector<16xi32>
      %eq3A_201 = arith.cmpi eq, %select_n3A_181, %broadcast_in_dim3A_199 : vector<16xi32>
      %select_n3A_202 = arith.select %eq3A_201, %div3A_186, %broadcast_in_dim3A_188 : vector<16xi1>, vector<16xf32>
      %select_n3A_203 = arith.select %eq3A_200, %div3A_185, %select_n3A_202 : vector<16xi1>, vector<16xf32>
      %swap3A_204 = arith.constant 16 : index
      %swap3A_205 = tpu.vector_load %arg5[%swap3A_204] {strides = array<i32>} : memref<128xf32, #tpu.memory_space<vmem>>, vector<16xf32>,
      %swap3A_206 = vector.shape_cast %swap3A_205 : vector<16xf32> to vector<16xf32>
      %swap3A_207 = vector.shape_cast %select_n3A_203 : vector<16xf32> to vector<16xf32>
      tpu.vector_store %arg5[%swap3A_204], %swap3A_207 {strides = array<i32>} : memref<128xf32, #tpu.memory_space<vmem>>, vector<16xf32>,
      %broadcast_in_dim3A_208 = arith.constant 2 : i32
      %broadcast_in_dim3A_209 = vector.broadcast %broadcast_in_dim3A_208 : i32 to vector<16xi32>
      %eq3A_210 = arith.cmpi eq, %select_n3A_76, %broadcast_in_dim3A_209 : vector<16xi32>
      %eq3A_211 = arith.cmpi eq, %select_n3A_181, %broadcast_in_dim3A_209 : vector<16xi32>
      %select_n3A_212 = arith.select %eq3A_211, %div3A_186, %broadcast_in_dim3A_188 : vector<16xi1>, vector<16xf32>
      %select_n3A_213 = arith.select %eq3A_210, %div3A_185, %select_n3A_212 : vector<16xi1>, vector<16xf32>
      %swap3A_214 = arith.constant 32 : index
      %swap3A_215 = tpu.vector_load %arg5[%swap3A_214] {strides = array<i32>} : memref<128xf32, #tpu.memory_space<vmem>>, vector<16xf32>,
      %swap3A_216 = vector.shape_cast %swap3A_215 : vector<16xf32> to vector<16xf32>
      %swap3A_217 = vector.shape_cast %select_n3A_213 : vector<16xf32> to vector<16xf32>
      tpu.vector_store %arg5[%swap3A_214], %swap3A_217 {strides = array<i32>} : memref<128xf32, #tpu.memory_space<vmem>>, vector<16xf32>,
      %broadcast_in_dim3A_218 = arith.constant 3 : i32
      %broadcast_in_dim3A_219 = vector.broadcast %broadcast_in_dim3A_218 : i32 to vector<16xi32>
      %eq3A_220 = arith.cmpi eq, %select_n3A_76, %broadcast_in_dim3A_219 : vector<16xi32>
      %eq3A_221 = arith.cmpi eq, %select_n3A_181, %broadcast_in_dim3A_219 : vector<16xi32>
      %select_n3A_222 = arith.select %eq3A_221, %div3A_186, %broadcast_in_dim3A_188 : vector<16xi1>, vector<16xf32>
      %select_n3A_223 = arith.select %eq3A_220, %div3A_185, %select_n3A_222 : vector<16xi1>, vector<16xf32>
      %swap3A_224 = arith.constant 48 : index
      %swap3A_225 = tpu.vector_load %arg5[%swap3A_224] {strides = array<i32>} : memref<128xf32, #tpu.memory_space<vmem>>, vector<16xf32>,
      %swap3A_226 = vector.shape_cast %swap3A_225 : vector<16xf32> to vector<16xf32>
      %swap3A_227 = vector.shape_cast %select_n3A_223 : vector<16xf32> to vector<16xf32>
      tpu.vector_store %arg5[%swap3A_224], %swap3A_227 {strides = array<i32>} : memref<128xf32, #tpu.memory_space<vmem>>, vector<16xf32>,
      %broadcast_in_dim3A_228 = arith.constant 4 : i32
      %broadcast_in_dim3A_229 = vector.broadcast %broadcast_in_dim3A_228 : i32 to vector<16xi32>
      %eq3A_230 = arith.cmpi eq, %select_n3A_76, %broadcast_in_dim3A_229 : vector<16xi32>
      %eq3A_231 = arith.cmpi eq, %select_n3A_181, %broadcast_in_dim3A_229 : vector<16xi32>
      %select_n3A_232 = arith.select %eq3A_231, %div3A_186, %broadcast_in_dim3A_188 : vector<16xi1>, vector<16xf32>
      %select_n3A_233 = arith.select %eq3A_230, %div3A_185, %select_n3A_232 : vector<16xi1>, vector<16xf32>
      %swap3A_234 = arith.constant 64 : index
      %swap3A_235 = tpu.vector_load %arg5[%swap3A_234] {strides = array<i32>} : memref<128xf32, #tpu.memory_space<vmem>>, vector<16xf32>,
      %swap3A_236 = vector.shape_cast %swap3A_235 : vector<16xf32> to vector<16xf32>
      %swap3A_237 = vector.shape_cast %select_n3A_233 : vector<16xf32> to vector<16xf32>
      tpu.vector_store %arg5[%swap3A_234], %swap3A_237 {strides = array<i32>} : memref<128xf32, #tpu.memory_space<vmem>>, vector<16xf32>,
      %broadcast_in_dim3A_238 = arith.constant 5 : i32
      %broadcast_in_dim3A_239 = vector.broadcast %broadcast_in_dim3A_238 : i32 to vector<16xi32>
      %eq3A_240 = arith.cmpi eq, %select_n3A_76, %broadcast_in_dim3A_239 : vector<16xi32>
      %eq3A_241 = arith.cmpi eq, %select_n3A_181, %broadcast_in_dim3A_239 : vector<16xi32>
      %select_n3A_242 = arith.select %eq3A_241, %div3A_186, %broadcast_in_dim3A_188 : vector<16xi1>, vector<16xf32>
      %select_n3A_243 = arith.select %eq3A_240, %div3A_185, %select_n3A_242 : vector<16xi1>, vector<16xf32>
      %swap3A_244 = arith.constant 80 : index
      %swap3A_245 = tpu.vector_load %arg5[%swap3A_244] {strides = array<i32>} : memref<128xf32, #tpu.memory_space<vmem>>, vector<16xf32>,
      %swap3A_246 = vector.shape_cast %swap3A_245 : vector<16xf32> to vector<16xf32>
      %swap3A_247 = vector.shape_cast %select_n3A_243 : vector<16xf32> to vector<16xf32>
      tpu.vector_store %arg5[%swap3A_244], %swap3A_247 {strides = array<i32>} : memref<128xf32, #tpu.memory_space<vmem>>, vector<16xf32>,
      %broadcast_in_dim3A_248 = arith.constant 6 : i32
      %broadcast_in_dim3A_249 = vector.broadcast %broadcast_in_dim3A_248 : i32 to vector<16xi32>
      %eq3A_250 = arith.cmpi eq, %select_n3A_76, %broadcast_in_dim3A_249 : vector<16xi32>
      %eq3A_251 = arith.cmpi eq, %select_n3A_181, %broadcast_in_dim3A_249 : vector<16xi32>
      %select_n3A_252 = arith.select %eq3A_251, %div3A_186, %broadcast_in_dim3A_188 : vector<16xi1>, vector<16xf32>
      %select_n3A_253 = arith.select %eq3A_250, %div3A_185, %select_n3A_252 : vector<16xi1>, vector<16xf32>
      %swap3A_254 = arith.constant 96 : index
      %swap3A_255 = tpu.vector_load %arg5[%swap3A_254] {strides = array<i32>} : memref<128xf32, #tpu.memory_space<vmem>>, vector<16xf32>,
      %swap3A_256 = vector.shape_cast %swap3A_255 : vector<16xf32> to vector<16xf32>
      %swap3A_257 = vector.shape_cast %select_n3A_253 : vector<16xf32> to vector<16xf32>
      tpu.vector_store %arg5[%swap3A_254], %swap3A_257 {strides = array<i32>} : memref<128xf32, #tpu.memory_space<vmem>>, vector<16xf32>,
      %broadcast_in_dim3A_258 = arith.constant 7 : i32
      %broadcast_in_dim3A_259 = vector.broadcast %broadcast_in_dim3A_258 : i32 to vector<16xi32>
      %eq3A_260 = arith.cmpi eq, %select_n3A_76, %broadcast_in_dim3A_259 : vector<16xi32>
      %eq3A_261 = arith.cmpi eq, %select_n3A_181, %broadcast_in_dim3A_259 : vector<16xi32>
      %select_n3A_262 = arith.select %eq3A_261, %div3A_186, %broadcast_in_dim3A_188 : vector<16xi1>, vector<16xf32>
      %select_n3A_263 = arith.select %eq3A_260, %div3A_185, %select_n3A_262 : vector<16xi1>, vector<16xf32>
      %swap3A_264 = arith.constant 112 : index
      %swap3A_265 = tpu.vector_load %arg5[%swap3A_264] {strides = array<i32>} : memref<128xf32, #tpu.memory_space<vmem>>, vector<16xf32>,
      %swap3A_266 = vector.shape_cast %swap3A_265 : vector<16xf32> to vector<16xf32>
      %swap3A_267 = vector.shape_cast %select_n3A_263 : vector<16xf32> to vector<16xf32>
      tpu.vector_store %arg5[%swap3A_264], %swap3A_267 {strides = array<i32>} : memref<128xf32, #tpu.memory_space<vmem>>, vector<16xf32>,
      %mul3A = arith.constant 16 : i32
      %mul3A_268 = arith.muli %arg1, %mul3A : i32
      %run_scoped3A = arith.constant 0 : i32
      %run_scoped3A_269 = arith.constant 0 : i32
      "tpu.region"() ({
        %run_scoped3A_298 = tpu.sem_alloc : memref<!tpu.dma_semaphore, #tpu.memory_space<semaphore_mem>>
        %dma_start3A = arith.constant 0 : i32
        %dma_start3A_299 = tpu.memref_slice %arg5[%dma_start3A] : memref<128xf32, #tpu.memory_space<vmem>> -> memref<16xf32, #tpu.memory_space<vmem>>
        %dma_start3A_300 = tpu.memref_slice %arg3[%run_scoped3A, %run_scoped3A_269, %mul3A_268] : memref<8x1x64xf32, #tpu.memory_space<hbm>> -> memref<1x1x16xf32, #tpu.memory_space<hbm>>
        %dma_start3A_301 = tpu.memref_squeeze %dma_start3A_300 : memref<1x1x16xf32, #tpu.memory_space<hbm>> -> memref<16xf32, #tpu.memory_space<hbm>>
        %dma_start3A_302 = tpu.memref_slice %arg3[%run_scoped3A, %run_scoped3A_269, %mul3A_268] : memref<8x1x64xf32, #tpu.memory_space<hbm>> -> memref<1x1x16xf32, #tpu.memory_space<hbm>>
        %dma_start3A_303 = tpu.memref_squeeze %dma_start3A_302 : memref<1x1x16xf32, #tpu.memory_space<hbm>> -> memref<16xf32, #tpu.memory_space<hbm>>
        %dma_start3A_304 = arith.constant 0 : i32
        %dma_start3A_305 = tpu.memref_slice %arg5[%dma_start3A_304] : memref<128xf32, #tpu.memory_space<vmem>> -> memref<16xf32, #tpu.memory_space<vmem>>
        tpu.enqueue_dma source(%dma_start3A_305 : memref<16xf32, #tpu.memory_space<vmem>>) target(%dma_start3A_303 : memref<16xf32, #tpu.memory_space<hbm>>) target_semaphore(%run_scoped3A_298 : memref<!tpu.dma_semaphore, #tpu.memory_space<semaphore_mem>>)
        %dma_wait3A = arith.constant 0 : i32
        %dma_wait3A_306 = tpu.memref_slice %arg5[%dma_wait3A] : memref<128xf32, #tpu.memory_space<vmem>> -> memref<16xf32, #tpu.memory_space<vmem>>
        %dma_wait3A_307 = tpu.memref_slice %arg3[%run_scoped3A, %run_scoped3A_269, %mul3A_268] : memref<8x1x64xf32, #tpu.memory_space<hbm>> -> memref<1x1x16xf32, #tpu.memory_space<hbm>>
        %dma_wait3A_308 = tpu.memref_squeeze %dma_wait3A_307 : memref<1x1x16xf32, #tpu.memory_space<hbm>> -> memref<16xf32, #tpu.memory_space<hbm>>
        %dma_wait3A_309 = tpu.memref_slice %arg3[%run_scoped3A, %run_scoped3A_269, %mul3A_268] : memref<8x1x64xf32, #tpu.memory_space<hbm>> -> memref<1x1x16xf32, #tpu.memory_space<hbm>>
        %dma_wait3A_310 = tpu.memref_squeeze %dma_wait3A_309 : memref<1x1x16xf32, #tpu.memory_space<hbm>> -> memref<16xf32, #tpu.memory_space<hbm>>
        %dma_wait3A_311 = arith.constant 0 : i32
        %dma_wait3A_312 = tpu.memref_slice %arg5[%dma_wait3A_311] : memref<128xf32, #tpu.memory_space<vmem>> -> memref<16xf32, #tpu.memory_space<vmem>>
        tpu.wait_dma2 semaphore(%run_scoped3A_298 : memref<!tpu.dma_semaphore, #tpu.memory_space<semaphore_mem>>) src(%dma_wait3A_312 : memref<16xf32, #tpu.memory_space<vmem>>) dst(%dma_wait3A_310 : memref<16xf32, #tpu.memory_space<hbm>>)
        tpu.yield
      }) : () -> ()
      %mul3A_270 = arith.constant 16 : i32
      %mul3A_271 = arith.muli %arg1, %mul3A_270 : i32
      %run_scoped3A_272 = arith.constant 1 : i32
      %run_scoped3A_273 = arith.constant 0 : i32
      "tpu.region"() ({
        %run_scoped3A_298 = tpu.sem_alloc : memref<!tpu.dma_semaphore, #tpu.memory_space<semaphore_mem>>
        %dma_start3A = arith.constant 16 : i32
        %dma_start3A_299 = tpu.memref_slice %arg5[%dma_start3A] : memref<128xf32, #tpu.memory_space<vmem>> -> memref<16xf32, #tpu.memory_space<vmem>>
        %dma_start3A_300 = tpu.memref_slice %arg3[%run_scoped3A_272, %run_scoped3A_273, %mul3A_271] : memref<8x1x64xf32, #tpu.memory_space<hbm>> -> memref<1x1x16xf32, #tpu.memory_space<hbm>>
        %dma_start3A_301 = tpu.memref_squeeze %dma_start3A_300 : memref<1x1x16xf32, #tpu.memory_space<hbm>> -> memref<16xf32, #tpu.memory_space<hbm>>
        %dma_start3A_302 = tpu.memref_slice %arg3[%run_scoped3A_272, %run_scoped3A_273, %mul3A_271] : memref<8x1x64xf32, #tpu.memory_space<hbm>> -> memref<1x1x16xf32, #tpu.memory_space<hbm>>
        %dma_start3A_303 = tpu.memref_squeeze %dma_start3A_302 : memref<1x1x16xf32, #tpu.memory_space<hbm>> -> memref<16xf32, #tpu.memory_space<hbm>>
        %dma_start3A_304 = arith.constant 16 : i32
        %dma_start3A_305 = tpu.memref_slice %arg5[%dma_start3A_304] : memref<128xf32, #tpu.memory_space<vmem>> -> memref<16xf32, #tpu.memory_space<vmem>>
        tpu.enqueue_dma source(%dma_start3A_305 : memref<16xf32, #tpu.memory_space<vmem>>) target(%dma_start3A_303 : memref<16xf32, #tpu.memory_space<hbm>>) target_semaphore(%run_scoped3A_298 : memref<!tpu.dma_semaphore, #tpu.memory_space<semaphore_mem>>)
        %dma_wait3A = arith.constant 16 : i32
        %dma_wait3A_306 = tpu.memref_slice %arg5[%dma_wait3A] : memref<128xf32, #tpu.memory_space<vmem>> -> memref<16xf32, #tpu.memory_space<vmem>>
        %dma_wait3A_307 = tpu.memref_slice %arg3[%run_scoped3A_272, %run_scoped3A_273, %mul3A_271] : memref<8x1x64xf32, #tpu.memory_space<hbm>> -> memref<1x1x16xf32, #tpu.memory_space<hbm>>
        %dma_wait3A_308 = tpu.memref_squeeze %dma_wait3A_307 : memref<1x1x16xf32, #tpu.memory_space<hbm>> -> memref<16xf32, #tpu.memory_space<hbm>>
        %dma_wait3A_309 = tpu.memref_slice %arg3[%run_scoped3A_272, %run_scoped3A_273, %mul3A_271] : memref<8x1x64xf32, #tpu.memory_space<hbm>> -> memref<1x1x16xf32, #tpu.memory_space<hbm>>
        %dma_wait3A_310 = tpu.memref_squeeze %dma_wait3A_309 : memref<1x1x16xf32, #tpu.memory_space<hbm>> -> memref<16xf32, #tpu.memory_space<hbm>>
        %dma_wait3A_311 = arith.constant 16 : i32
        %dma_wait3A_312 = tpu.memref_slice %arg5[%dma_wait3A_311] : memref<128xf32, #tpu.memory_space<vmem>> -> memref<16xf32, #tpu.memory_space<vmem>>
        tpu.wait_dma2 semaphore(%run_scoped3A_298 : memref<!tpu.dma_semaphore, #tpu.memory_space<semaphore_mem>>) src(%dma_wait3A_312 : memref<16xf32, #tpu.memory_space<vmem>>) dst(%dma_wait3A_310 : memref<16xf32, #tpu.memory_space<hbm>>)
        tpu.yield
      }) : () -> ()
      %mul3A_274 = arith.constant 16 : i32
      %mul3A_275 = arith.muli %arg1, %mul3A_274 : i32
      %run_scoped3A_276 = arith.constant 2 : i32
      %run_scoped3A_277 = arith.constant 0 : i32
      "tpu.region"() ({
        %run_scoped3A_298 = tpu.sem_alloc : memref<!tpu.dma_semaphore, #tpu.memory_space<semaphore_mem>>
        %dma_start3A = arith.constant 32 : i32
        %dma_start3A_299 = tpu.memref_slice %arg5[%dma_start3A] : memref<128xf32, #tpu.memory_space<vmem>> -> memref<16xf32, #tpu.memory_space<vmem>>
        %dma_start3A_300 = tpu.memref_slice %arg3[%run_scoped3A_276, %run_scoped3A_277, %mul3A_275] : memref<8x1x64xf32, #tpu.memory_space<hbm>> -> memref<1x1x16xf32, #tpu.memory_space<hbm>>
        %dma_start3A_301 = tpu.memref_squeeze %dma_start3A_300 : memref<1x1x16xf32, #tpu.memory_space<hbm>> -> memref<16xf32, #tpu.memory_space<hbm>>
        %dma_start3A_302 = tpu.memref_slice %arg3[%run_scoped3A_276, %run_scoped3A_277, %mul3A_275] : memref<8x1x64xf32, #tpu.memory_space<hbm>> -> memref<1x1x16xf32, #tpu.memory_space<hbm>>
        %dma_start3A_303 = tpu.memref_squeeze %dma_start3A_302 : memref<1x1x16xf32, #tpu.memory_space<hbm>> -> memref<16xf32, #tpu.memory_space<hbm>>
        %dma_start3A_304 = arith.constant 32 : i32
        %dma_start3A_305 = tpu.memref_slice %arg5[%dma_start3A_304] : memref<128xf32, #tpu.memory_space<vmem>> -> memref<16xf32, #tpu.memory_space<vmem>>
        tpu.enqueue_dma source(%dma_start3A_305 : memref<16xf32, #tpu.memory_space<vmem>>) target(%dma_start3A_303 : memref<16xf32, #tpu.memory_space<hbm>>) target_semaphore(%run_scoped3A_298 : memref<!tpu.dma_semaphore, #tpu.memory_space<semaphore_mem>>)
        %dma_wait3A = arith.constant 32 : i32
        %dma_wait3A_306 = tpu.memref_slice %arg5[%dma_wait3A] : memref<128xf32, #tpu.memory_space<vmem>> -> memref<16xf32, #tpu.memory_space<vmem>>
        %dma_wait3A_307 = tpu.memref_slice %arg3[%run_scoped3A_276, %run_scoped3A_277, %mul3A_275] : memref<8x1x64xf32, #tpu.memory_space<hbm>> -> memref<1x1x16xf32, #tpu.memory_space<hbm>>
        %dma_wait3A_308 = tpu.memref_squeeze %dma_wait3A_307 : memref<1x1x16xf32, #tpu.memory_space<hbm>> -> memref<16xf32, #tpu.memory_space<hbm>>
        %dma_wait3A_309 = tpu.memref_slice %arg3[%run_scoped3A_276, %run_scoped3A_277, %mul3A_275] : memref<8x1x64xf32, #tpu.memory_space<hbm>> -> memref<1x1x16xf32, #tpu.memory_space<hbm>>
        %dma_wait3A_310 = tpu.memref_squeeze %dma_wait3A_309 : memref<1x1x16xf32, #tpu.memory_space<hbm>> -> memref<16xf32, #tpu.memory_space<hbm>>
        %dma_wait3A_311 = arith.constant 32 : i32
        %dma_wait3A_312 = tpu.memref_slice %arg5[%dma_wait3A_311] : memref<128xf32, #tpu.memory_space<vmem>> -> memref<16xf32, #tpu.memory_space<vmem>>
        tpu.wait_dma2 semaphore(%run_scoped3A_298 : memref<!tpu.dma_semaphore, #tpu.memory_space<semaphore_mem>>) src(%dma_wait3A_312 : memref<16xf32, #tpu.memory_space<vmem>>) dst(%dma_wait3A_310 : memref<16xf32, #tpu.memory_space<hbm>>)
        tpu.yield
      }) : () -> ()
      %mul3A_278 = arith.constant 16 : i32
      %mul3A_279 = arith.muli %arg1, %mul3A_278 : i32
      %run_scoped3A_280 = arith.constant 3 : i32
      %run_scoped3A_281 = arith.constant 0 : i32
      "tpu.region"() ({
        %run_scoped3A_298 = tpu.sem_alloc : memref<!tpu.dma_semaphore, #tpu.memory_space<semaphore_mem>>
        %dma_start3A = arith.constant 48 : i32
        %dma_start3A_299 = tpu.memref_slice %arg5[%dma_start3A] : memref<128xf32, #tpu.memory_space<vmem>> -> memref<16xf32, #tpu.memory_space<vmem>>
        %dma_start3A_300 = tpu.memref_slice %arg3[%run_scoped3A_280, %run_scoped3A_281, %mul3A_279] : memref<8x1x64xf32, #tpu.memory_space<hbm>> -> memref<1x1x16xf32, #tpu.memory_space<hbm>>
        %dma_start3A_301 = tpu.memref_squeeze %dma_start3A_300 : memref<1x1x16xf32, #tpu.memory_space<hbm>> -> memref<16xf32, #tpu.memory_space<hbm>>
        %dma_start3A_302 = tpu.memref_slice %arg3[%run_scoped3A_280, %run_scoped3A_281, %mul3A_279] : memref<8x1x64xf32, #tpu.memory_space<hbm>> -> memref<1x1x16xf32, #tpu.memory_space<hbm>>
        %dma_start3A_303 = tpu.memref_squeeze %dma_start3A_302 : memref<1x1x16xf32, #tpu.memory_space<hbm>> -> memref<16xf32, #tpu.memory_space<hbm>>
        %dma_start3A_304 = arith.constant 48 : i32
        %dma_start3A_305 = tpu.memref_slice %arg5[%dma_start3A_304] : memref<128xf32, #tpu.memory_space<vmem>> -> memref<16xf32, #tpu.memory_space<vmem>>
        tpu.enqueue_dma source(%dma_start3A_305 : memref<16xf32, #tpu.memory_space<vmem>>) target(%dma_start3A_303 : memref<16xf32, #tpu.memory_space<hbm>>) target_semaphore(%run_scoped3A_298 : memref<!tpu.dma_semaphore, #tpu.memory_space<semaphore_mem>>)
        %dma_wait3A = arith.constant 48 : i32
        %dma_wait3A_306 = tpu.memref_slice %arg5[%dma_wait3A] : memref<128xf32, #tpu.memory_space<vmem>> -> memref<16xf32, #tpu.memory_space<vmem>>
        %dma_wait3A_307 = tpu.memref_slice %arg3[%run_scoped3A_280, %run_scoped3A_281, %mul3A_279] : memref<8x1x64xf32, #tpu.memory_space<hbm>> -> memref<1x1x16xf32, #tpu.memory_space<hbm>>
        %dma_wait3A_308 = tpu.memref_squeeze %dma_wait3A_307 : memref<1x1x16xf32, #tpu.memory_space<hbm>> -> memref<16xf32, #tpu.memory_space<hbm>>
        %dma_wait3A_309 = tpu.memref_slice %arg3[%run_scoped3A_280, %run_scoped3A_281, %mul3A_279] : memref<8x1x64xf32, #tpu.memory_space<hbm>> -> memref<1x1x16xf32, #tpu.memory_space<hbm>>
        %dma_wait3A_310 = tpu.memref_squeeze %dma_wait3A_309 : memref<1x1x16xf32, #tpu.memory_space<hbm>> -> memref<16xf32, #tpu.memory_space<hbm>>
        %dma_wait3A_311 = arith.constant 48 : i32
        %dma_wait3A_312 = tpu.memref_slice %arg5[%dma_wait3A_311] : memref<128xf32, #tpu.memory_space<vmem>> -> memref<16xf32, #tpu.memory_space<vmem>>
        tpu.wait_dma2 semaphore(%run_scoped3A_298 : memref<!tpu.dma_semaphore, #tpu.memory_space<semaphore_mem>>) src(%dma_wait3A_312 : memref<16xf32, #tpu.memory_space<vmem>>) dst(%dma_wait3A_310 : memref<16xf32, #tpu.memory_space<hbm>>)
        tpu.yield
      }) : () -> ()
      %mul3A_282 = arith.constant 16 : i32
      %mul3A_283 = arith.muli %arg1, %mul3A_282 : i32
      %run_scoped3A_284 = arith.constant 4 : i32
      %run_scoped3A_285 = arith.constant 0 : i32
      "tpu.region"() ({
        %run_scoped3A_298 = tpu.sem_alloc : memref<!tpu.dma_semaphore, #tpu.memory_space<semaphore_mem>>
        %dma_start3A = arith.constant 64 : i32
        %dma_start3A_299 = tpu.memref_slice %arg5[%dma_start3A] : memref<128xf32, #tpu.memory_space<vmem>> -> memref<16xf32, #tpu.memory_space<vmem>>
        %dma_start3A_300 = tpu.memref_slice %arg3[%run_scoped3A_284, %run_scoped3A_285, %mul3A_283] : memref<8x1x64xf32, #tpu.memory_space<hbm>> -> memref<1x1x16xf32, #tpu.memory_space<hbm>>
        %dma_start3A_301 = tpu.memref_squeeze %dma_start3A_300 : memref<1x1x16xf32, #tpu.memory_space<hbm>> -> memref<16xf32, #tpu.memory_space<hbm>>
        %dma_start3A_302 = tpu.memref_slice %arg3[%run_scoped3A_284, %run_scoped3A_285, %mul3A_283] : memref<8x1x64xf32, #tpu.memory_space<hbm>> -> memref<1x1x16xf32, #tpu.memory_space<hbm>>
        %dma_start3A_303 = tpu.memref_squeeze %dma_start3A_302 : memref<1x1x16xf32, #tpu.memory_space<hbm>> -> memref<16xf32, #tpu.memory_space<hbm>>
        %dma_start3A_304 = arith.constant 64 : i32
        %dma_start3A_305 = tpu.memref_slice %arg5[%dma_start3A_304] : memref<128xf32, #tpu.memory_space<vmem>> -> memref<16xf32, #tpu.memory_space<vmem>>
        tpu.enqueue_dma source(%dma_start3A_305 : memref<16xf32, #tpu.memory_space<vmem>>) target(%dma_start3A_303 : memref<16xf32, #tpu.memory_space<hbm>>) target_semaphore(%run_scoped3A_298 : memref<!tpu.dma_semaphore, #tpu.memory_space<semaphore_mem>>)
        %dma_wait3A = arith.constant 64 : i32
        %dma_wait3A_306 = tpu.memref_slice %arg5[%dma_wait3A] : memref<128xf32, #tpu.memory_space<vmem>> -> memref<16xf32, #tpu.memory_space<vmem>>
        %dma_wait3A_307 = tpu.memref_slice %arg3[%run_scoped3A_284, %run_scoped3A_285, %mul3A_283] : memref<8x1x64xf32, #tpu.memory_space<hbm>> -> memref<1x1x16xf32, #tpu.memory_space<hbm>>
        %dma_wait3A_308 = tpu.memref_squeeze %dma_wait3A_307 : memref<1x1x16xf32, #tpu.memory_space<hbm>> -> memref<16xf32, #tpu.memory_space<hbm>>
        %dma_wait3A_309 = tpu.memref_slice %arg3[%run_scoped3A_284, %run_scoped3A_285, %mul3A_283] : memref<8x1x64xf32, #tpu.memory_space<hbm>> -> memref<1x1x16xf32, #tpu.memory_space<hbm>>
        %dma_wait3A_310 = tpu.memref_squeeze %dma_wait3A_309 : memref<1x1x16xf32, #tpu.memory_space<hbm>> -> memref<16xf32, #tpu.memory_space<hbm>>
        %dma_wait3A_311 = arith.constant 64 : i32
        %dma_wait3A_312 = tpu.memref_slice %arg5[%dma_wait3A_311] : memref<128xf32, #tpu.memory_space<vmem>> -> memref<16xf32, #tpu.memory_space<vmem>>
        tpu.wait_dma2 semaphore(%run_scoped3A_298 : memref<!tpu.dma_semaphore, #tpu.memory_space<semaphore_mem>>) src(%dma_wait3A_312 : memref<16xf32, #tpu.memory_space<vmem>>) dst(%dma_wait3A_310 : memref<16xf32, #tpu.memory_space<hbm>>)
        tpu.yield
      }) : () -> ()
      %mul3A_286 = arith.constant 16 : i32
      %mul3A_287 = arith.muli %arg1, %mul3A_286 : i32
      %run_scoped3A_288 = arith.constant 5 : i32
      %run_scoped3A_289 = arith.constant 0 : i32
      "tpu.region"() ({
        %run_scoped3A_298 = tpu.sem_alloc : memref<!tpu.dma_semaphore, #tpu.memory_space<semaphore_mem>>
        %dma_start3A = arith.constant 80 : i32
        %dma_start3A_299 = tpu.memref_slice %arg5[%dma_start3A] : memref<128xf32, #tpu.memory_space<vmem>> -> memref<16xf32, #tpu.memory_space<vmem>>
        %dma_start3A_300 = tpu.memref_slice %arg3[%run_scoped3A_288, %run_scoped3A_289, %mul3A_287] : memref<8x1x64xf32, #tpu.memory_space<hbm>> -> memref<1x1x16xf32, #tpu.memory_space<hbm>>
        %dma_start3A_301 = tpu.memref_squeeze %dma_start3A_300 : memref<1x1x16xf32, #tpu.memory_space<hbm>> -> memref<16xf32, #tpu.memory_space<hbm>>
        %dma_start3A_302 = tpu.memref_slice %arg3[%run_scoped3A_288, %run_scoped3A_289, %mul3A_287] : memref<8x1x64xf32, #tpu.memory_space<hbm>> -> memref<1x1x16xf32, #tpu.memory_space<hbm>>
        %dma_start3A_303 = tpu.memref_squeeze %dma_start3A_302 : memref<1x1x16xf32, #tpu.memory_space<hbm>> -> memref<16xf32, #tpu.memory_space<hbm>>
        %dma_start3A_304 = arith.constant 80 : i32
        %dma_start3A_305 = tpu.memref_slice %arg5[%dma_start3A_304] : memref<128xf32, #tpu.memory_space<vmem>> -> memref<16xf32, #tpu.memory_space<vmem>>
        tpu.enqueue_dma source(%dma_start3A_305 : memref<16xf32, #tpu.memory_space<vmem>>) target(%dma_start3A_303 : memref<16xf32, #tpu.memory_space<hbm>>) target_semaphore(%run_scoped3A_298 : memref<!tpu.dma_semaphore, #tpu.memory_space<semaphore_mem>>)
        %dma_wait3A = arith.constant 80 : i32
        %dma_wait3A_306 = tpu.memref_slice %arg5[%dma_wait3A] : memref<128xf32, #tpu.memory_space<vmem>> -> memref<16xf32, #tpu.memory_space<vmem>>
        %dma_wait3A_307 = tpu.memref_slice %arg3[%run_scoped3A_288, %run_scoped3A_289, %mul3A_287] : memref<8x1x64xf32, #tpu.memory_space<hbm>> -> memref<1x1x16xf32, #tpu.memory_space<hbm>>
        %dma_wait3A_308 = tpu.memref_squeeze %dma_wait3A_307 : memref<1x1x16xf32, #tpu.memory_space<hbm>> -> memref<16xf32, #tpu.memory_space<hbm>>
        %dma_wait3A_309 = tpu.memref_slice %arg3[%run_scoped3A_288, %run_scoped3A_289, %mul3A_287] : memref<8x1x64xf32, #tpu.memory_space<hbm>> -> memref<1x1x16xf32, #tpu.memory_space<hbm>>
        %dma_wait3A_310 = tpu.memref_squeeze %dma_wait3A_309 : memref<1x1x16xf32, #tpu.memory_space<hbm>> -> memref<16xf32, #tpu.memory_space<hbm>>
        %dma_wait3A_311 = arith.constant 80 : i32
        %dma_wait3A_312 = tpu.memref_slice %arg5[%dma_wait3A_311] : memref<128xf32, #tpu.memory_space<vmem>> -> memref<16xf32, #tpu.memory_space<vmem>>
        tpu.wait_dma2 semaphore(%run_scoped3A_298 : memref<!tpu.dma_semaphore, #tpu.memory_space<semaphore_mem>>) src(%dma_wait3A_312 : memref<16xf32, #tpu.memory_space<vmem>>) dst(%dma_wait3A_310 : memref<16xf32, #tpu.memory_space<hbm>>)
        tpu.yield
      }) : () -> ()
      %mul3A_290 = arith.constant 16 : i32
      %mul3A_291 = arith.muli %arg1, %mul3A_290 : i32
      %run_scoped3A_292 = arith.constant 6 : i32
      %run_scoped3A_293 = arith.constant 0 : i32
      "tpu.region"() ({
        %run_scoped3A_298 = tpu.sem_alloc : memref<!tpu.dma_semaphore, #tpu.memory_space<semaphore_mem>>
        %dma_start3A = arith.constant 96 : i32
        %dma_start3A_299 = tpu.memref_slice %arg5[%dma_start3A] : memref<128xf32, #tpu.memory_space<vmem>> -> memref<16xf32, #tpu.memory_space<vmem>>
        %dma_start3A_300 = tpu.memref_slice %arg3[%run_scoped3A_292, %run_scoped3A_293, %mul3A_291] : memref<8x1x64xf32, #tpu.memory_space<hbm>> -> memref<1x1x16xf32, #tpu.memory_space<hbm>>
        %dma_start3A_301 = tpu.memref_squeeze %dma_start3A_300 : memref<1x1x16xf32, #tpu.memory_space<hbm>> -> memref<16xf32, #tpu.memory_space<hbm>>
        %dma_start3A_302 = tpu.memref_slice %arg3[%run_scoped3A_292, %run_scoped3A_293, %mul3A_291] : memref<8x1x64xf32, #tpu.memory_space<hbm>> -> memref<1x1x16xf32, #tpu.memory_space<hbm>>
        %dma_start3A_303 = tpu.memref_squeeze %dma_start3A_302 : memref<1x1x16xf32, #tpu.memory_space<hbm>> -> memref<16xf32, #tpu.memory_space<hbm>>
        %dma_start3A_304 = arith.constant 96 : i32
        %dma_start3A_305 = tpu.memref_slice %arg5[%dma_start3A_304] : memref<128xf32, #tpu.memory_space<vmem>> -> memref<16xf32, #tpu.memory_space<vmem>>
        tpu.enqueue_dma source(%dma_start3A_305 : memref<16xf32, #tpu.memory_space<vmem>>) target(%dma_start3A_303 : memref<16xf32, #tpu.memory_space<hbm>>) target_semaphore(%run_scoped3A_298 : memref<!tpu.dma_semaphore, #tpu.memory_space<semaphore_mem>>)
        %dma_wait3A = arith.constant 96 : i32
        %dma_wait3A_306 = tpu.memref_slice %arg5[%dma_wait3A] : memref<128xf32, #tpu.memory_space<vmem>> -> memref<16xf32, #tpu.memory_space<vmem>>
        %dma_wait3A_307 = tpu.memref_slice %arg3[%run_scoped3A_292, %run_scoped3A_293, %mul3A_291] : memref<8x1x64xf32, #tpu.memory_space<hbm>> -> memref<1x1x16xf32, #tpu.memory_space<hbm>>
        %dma_wait3A_308 = tpu.memref_squeeze %dma_wait3A_307 : memref<1x1x16xf32, #tpu.memory_space<hbm>> -> memref<16xf32, #tpu.memory_space<hbm>>
        %dma_wait3A_309 = tpu.memref_slice %arg3[%run_scoped3A_292, %run_scoped3A_293, %mul3A_291] : memref<8x1x64xf32, #tpu.memory_space<hbm>> -> memref<1x1x16xf32, #tpu.memory_space<hbm>>
        %dma_wait3A_310 = tpu.memref_squeeze %dma_wait3A_309 : memref<1x1x16xf32, #tpu.memory_space<hbm>> -> memref<16xf32, #tpu.memory_space<hbm>>
        %dma_wait3A_311 = arith.constant 96 : i32
        %dma_wait3A_312 = tpu.memref_slice %arg5[%dma_wait3A_311] : memref<128xf32, #tpu.memory_space<vmem>> -> memref<16xf32, #tpu.memory_space<vmem>>
        tpu.wait_dma2 semaphore(%run_scoped3A_298 : memref<!tpu.dma_semaphore, #tpu.memory_space<semaphore_mem>>) src(%dma_wait3A_312 : memref<16xf32, #tpu.memory_space<vmem>>) dst(%dma_wait3A_310 : memref<16xf32, #tpu.memory_space<hbm>>)
        tpu.yield
      }) : () -> ()
      %mul3A_294 = arith.constant 16 : i32
      %mul3A_295 = arith.muli %arg1, %mul3A_294 : i32
      %run_scoped3A_296 = arith.constant 7 : i32
      %run_scoped3A_297 = arith.constant 0 : i32
      "tpu.region"() ({
        %run_scoped3A_298 = tpu.sem_alloc : memref<!tpu.dma_semaphore, #tpu.memory_space<semaphore_mem>>
        %dma_start3A = arith.constant 112 : i32
        %dma_start3A_299 = tpu.memref_slice %arg5[%dma_start3A] : memref<128xf32, #tpu.memory_space<vmem>> -> memref<16xf32, #tpu.memory_space<vmem>>
        %dma_start3A_300 = tpu.memref_slice %arg3[%run_scoped3A_296, %run_scoped3A_297, %mul3A_295] : memref<8x1x64xf32, #tpu.memory_space<hbm>> -> memref<1x1x16xf32, #tpu.memory_space<hbm>>
        %dma_start3A_301 = tpu.memref_squeeze %dma_start3A_300 : memref<1x1x16xf32, #tpu.memory_space<hbm>> -> memref<16xf32, #tpu.memory_space<hbm>>
        %dma_start3A_302 = tpu.memref_slice %arg3[%run_scoped3A_296, %run_scoped3A_297, %mul3A_295] : memref<8x1x64xf32, #tpu.memory_space<hbm>> -> memref<1x1x16xf32, #tpu.memory_space<hbm>>
        %dma_start3A_303 = tpu.memref_squeeze %dma_start3A_302 : memref<1x1x16xf32, #tpu.memory_space<hbm>> -> memref<16xf32, #tpu.memory_space<hbm>>
        %dma_start3A_304 = arith.constant 112 : i32
        %dma_start3A_305 = tpu.memref_slice %arg5[%dma_start3A_304] : memref<128xf32, #tpu.memory_space<vmem>> -> memref<16xf32, #tpu.memory_space<vmem>>
        tpu.enqueue_dma source(%dma_start3A_305 : memref<16xf32, #tpu.memory_space<vmem>>) target(%dma_start3A_303 : memref<16xf32, #tpu.memory_space<hbm>>) target_semaphore(%run_scoped3A_298 : memref<!tpu.dma_semaphore, #tpu.memory_space<semaphore_mem>>)
        %dma_wait3A = arith.constant 112 : i32
        %dma_wait3A_306 = tpu.memref_slice %arg5[%dma_wait3A] : memref<128xf32, #tpu.memory_space<vmem>> -> memref<16xf32, #tpu.memory_space<vmem>>
        %dma_wait3A_307 = tpu.memref_slice %arg3[%run_scoped3A_296, %run_scoped3A_297, %mul3A_295] : memref<8x1x64xf32, #tpu.memory_space<hbm>> -> memref<1x1x16xf32, #tpu.memory_space<hbm>>
        %dma_wait3A_308 = tpu.memref_squeeze %dma_wait3A_307 : memref<1x1x16xf32, #tpu.memory_space<hbm>> -> memref<16xf32, #tpu.memory_space<hbm>>
        %dma_wait3A_309 = tpu.memref_slice %arg3[%run_scoped3A_296, %run_scoped3A_297, %mul3A_295] : memref<8x1x64xf32, #tpu.memory_space<hbm>> -> memref<1x1x16xf32, #tpu.memory_space<hbm>>
        %dma_wait3A_310 = tpu.memref_squeeze %dma_wait3A_309 : memref<1x1x16xf32, #tpu.memory_space<hbm>> -> memref<16xf32, #tpu.memory_space<hbm>>
        %dma_wait3A_311 = arith.constant 112 : i32
        %dma_wait3A_312 = tpu.memref_slice %arg5[%dma_wait3A_311] : memref<128xf32, #tpu.memory_space<vmem>> -> memref<16xf32, #tpu.memory_space<vmem>>
        tpu.wait_dma2 semaphore(%run_scoped3A_298 : memref<!tpu.dma_semaphore, #tpu.memory_space<semaphore_mem>>) src(%dma_wait3A_312 : memref<16xf32, #tpu.memory_space<vmem>>) dst(%dma_wait3A_310 : memref<16xf32, #tpu.memory_space<hbm>>)
        tpu.yield
      }) : () -> ()
    } else {
    }
    return
  }
}

module attributes {stable_mosaic.version = 14 : i64} {
  func.func @_moe_tc_body(%arg0: i32, %arg1: i32, %arg2: memref<64x2048xf32, #tpu.memory_space<vmem>>, %arg3: memref<1x512x2048xf32, #tpu.memory_space<vmem>>, %arg4: memref<1x512x2048xf32, #tpu.memory_space<vmem>>, %arg5: memref<1x2048x512xf32, #tpu.memory_space<vmem>>, %arg6: memref<1x64x2048xf32, #tpu.memory_space<vmem>>) attributes {dimension_semantics = [#tpu.dimension_semantics<arbitrary>, #tpu.dimension_semantics<arbitrary>], iteration_bounds = array<i64: 8, 8>, scalar_prefetch = 0 : i64, scratch_operands = 0 : i64, tpu.core_type = #tpu.core_type<tc>, window_params = [{pipeline_mode = #tpu.pipeline_mode<synchronous>, transform_indices = @transform_0, window_bounds = array<i64: 64, 2048>}, {transform_indices = @transform_1, window_bounds = array<i64: 1, 512, 2048>}, {transform_indices = @transform_2, window_bounds = array<i64: 1, 512, 2048>}, {transform_indices = @transform_3, window_bounds = array<i64: 1, 2048, 512>}, {transform_indices = @transform_4, window_bounds = array<i64: 1, 64, 2048>}]} {
    %eq3A = arith.constant 0 : i32
    %eq3A_0 = arith.cmpi eq, %arg1, %eq3A : i32
    %convert_element_type3A = arith.extui %eq3A_0 : i1 to i32
    %cond3A = arith.constant 0 : i32
    %cond3A_1 = arith.cmpi ne, %convert_element_type3A, %cond3A : i32
    scf.if %cond3A_1 {
      %broadcast_in_dim3A = arith.constant 0.000000e+00 : f32
      %broadcast_in_dim3A_40 = vector.broadcast %broadcast_in_dim3A : f32 to vector<1x64x2048xf32>
      %swap3A_41 = arith.constant 0 : index
      %swap3A_42 = arith.constant 0 : index
      %swap3A_43 = arith.constant 0 : index
      %swap3A_44 = vector.load %arg6[%swap3A_41, %swap3A_42, %swap3A_43] : memref<1x64x2048xf32, #tpu.memory_space<vmem>>, vector<1x64x2048xf32>
      tpu.vector_store %arg6[%swap3A_41, %swap3A_42, %swap3A_43], %broadcast_in_dim3A_40 {strides = array<i32>} : memref<1x64x2048xf32, #tpu.memory_space<vmem>>, vector<1x64x2048xf32>,
    } else {
    }
    %get3A = arith.constant 0 : index
    %get3A_2 = arith.constant 0 : index
    %get3A_3 = vector.load %arg2[%get3A, %get3A_2] : memref<64x2048xf32, #tpu.memory_space<vmem>>, vector<64x2048xf32>
    %get3A_4 = arith.constant 0 : index
    %get3A_5 = arith.constant 0 : index
    %get3A_6 = arith.constant 0 : index
    %get3A_7 = vector.load %arg3[%get3A_4, %get3A_5, %get3A_6] : memref<1x512x2048xf32, #tpu.memory_space<vmem>>, vector<1x512x2048xf32>
    %get3A_8 = vector.shape_cast %get3A_7 : vector<1x512x2048xf32> to vector<512x2048xf32>
    %dot_general3A = arith.constant dense<0.000000e+00> : vector<64x512xf32>
    %dot_general3A_9 = tpu.matmul %get3A_3, %get3A_8, %dot_general3A {dimension_numbers = #tpu.dot_dimension_numbers<[1], [1], [0], [0], [0, 0, 1, 0], [], []>, transpose_lhs_hint = false} : vector<64x2048xf32>, vector<512x2048xf32>, vector<64x512xf32> -> vector<64x512xf32>
    %get3A_10 = arith.constant 0 : index
    %get3A_11 = arith.constant 0 : index
    %get3A_12 = arith.constant 0 : index
    %get3A_13 = vector.load %arg4[%get3A_10, %get3A_11, %get3A_12] : memref<1x512x2048xf32, #tpu.memory_space<vmem>>, vector<1x512x2048xf32>
    %get3A_14 = vector.shape_cast %get3A_13 : vector<1x512x2048xf32> to vector<512x2048xf32>
    %dot_general3A_15 = arith.constant dense<0.000000e+00> : vector<64x512xf32>
    %dot_general3A_16 = tpu.matmul %get3A_3, %get3A_14, %dot_general3A_15 {dimension_numbers = #tpu.dot_dimension_numbers<[1], [1], [0], [0], [0, 0, 1, 0], [], []>, transpose_lhs_hint = false} : vector<64x2048xf32>, vector<512x2048xf32>, vector<64x512xf32> -> vector<64x512xf32>
    %logistic3A = arith.negf %dot_general3A_9 : vector<64x512xf32>
    %logistic3A_17 = math.exp %logistic3A : vector<64x512xf32>
    %logistic3A_18 = arith.constant 1.000000e+00 : f32
    %logistic3A_19 = vector.broadcast %logistic3A_18 : f32 to vector<64x512xf32>
    %logistic3A_20 = arith.addf %logistic3A_19, %logistic3A_17 : vector<64x512xf32>
    %logistic3A_21 = arith.divf %logistic3A_19, %logistic3A_20 : vector<64x512xf32>
    %mul3A = arith.mulf %dot_general3A_9, %logistic3A_21 : vector<64x512xf32>
    %mul3A_22 = arith.mulf %mul3A, %dot_general3A_16 : vector<64x512xf32>
    %get3A_23 = arith.constant 0 : index
    %get3A_24 = arith.constant 0 : index
    %get3A_25 = arith.constant 0 : index
    %get3A_26 = vector.load %arg6[%get3A_23, %get3A_24, %get3A_25] : memref<1x64x2048xf32, #tpu.memory_space<vmem>>, vector<1x64x2048xf32>
    %get3A_27 = vector.shape_cast %get3A_26 : vector<1x64x2048xf32> to vector<64x2048xf32>
    %get3A_28 = arith.constant 0 : index
    %get3A_29 = arith.constant 0 : index
    %get3A_30 = arith.constant 0 : index
    %get3A_31 = vector.load %arg5[%get3A_28, %get3A_29, %get3A_30] : memref<1x2048x512xf32, #tpu.memory_space<vmem>>, vector<1x2048x512xf32>
    %get3A_32 = vector.shape_cast %get3A_31 : vector<1x2048x512xf32> to vector<2048x512xf32>
    %dot_general3A_33 = arith.constant dense<0.000000e+00> : vector<64x2048xf32>
    %dot_general3A_34 = tpu.matmul %mul3A_22, %get3A_32, %dot_general3A_33 {dimension_numbers = #tpu.dot_dimension_numbers<[1], [1], [0], [0], [0, 0, 1, 0], [], []>, transpose_lhs_hint = false} : vector<64x512xf32>, vector<2048x512xf32>, vector<64x2048xf32> -> vector<64x2048xf32>
    %add3A = arith.addf %get3A_27, %dot_general3A_34 : vector<64x2048xf32>
    %swap3A = arith.constant 0 : index
    %swap3A_35 = arith.constant 0 : index
    %swap3A_36 = arith.constant 0 : index
    %swap3A_37 = vector.load %arg6[%swap3A, %swap3A_35, %swap3A_36] : memref<1x64x2048xf32, #tpu.memory_space<vmem>>, vector<1x64x2048xf32>
    %swap3A_38 = vector.shape_cast %swap3A_37 : vector<1x64x2048xf32> to vector<64x2048xf32>
    %swap3A_39 = vector.shape_cast %add3A : vector<64x2048xf32> to vector<1x64x2048xf32>
    tpu.vector_store %arg6[%swap3A, %swap3A_35, %swap3A_36], %swap3A_39 {strides = array<i32>} : memref<1x64x2048xf32, #tpu.memory_space<vmem>>, vector<1x64x2048xf32>,
    return
  }
  func.func @transform_0(%arg0: i32, %arg1: i32) -> (i32, i32) {
    %c0_i32 = arith.constant 0 : i32
    %c0_i32_0 = arith.constant 0 : i32
    %c0_i32_1 = arith.constant 0 : i32
    return %c0_i32, %c0_i32_0 : i32, i32
  }
  func.func @transform_1(%arg0: i32, %arg1: i32) -> (i32, i32, i32) {
    %c0_i32 = arith.constant 0 : i32
    %c0_i32_0 = arith.constant 0 : i32
    return %arg0, %arg1, %c0_i32 : i32, i32, i32
  }
  func.func @transform_2(%arg0: i32, %arg1: i32) -> (i32, i32, i32) {
    %c0_i32 = arith.constant 0 : i32
    %c0_i32_0 = arith.constant 0 : i32
    return %arg0, %arg1, %c0_i32 : i32, i32, i32
  }
  func.func @transform_3(%arg0: i32, %arg1: i32) -> (i32, i32, i32) {
    %c0_i32 = arith.constant 0 : i32
    %c0_i32_0 = arith.constant 0 : i32
    return %arg0, %c0_i32, %arg1 : i32, i32, i32
  }
  func.func @transform_4(%arg0: i32, %arg1: i32) -> (i32, i32, i32) {
    %c0_i32 = arith.constant 0 : i32
    %c0_i32_0 = arith.constant 0 : i32
    %c0_i32_1 = arith.constant 0 : i32
    return %arg0, %c0_i32, %c0_i32_0 : i32, i32, i32
  }
}

module attributes {stable_mosaic.version = 14 : i64} {
  func.func @_combine_body(%arg0: memref<8x64x2048xf32, #tpu.memory_space<vmem>>, %arg1: memref<8x1x64xf32, #tpu.memory_space<vmem>>, %arg2: memref<64x2048xf32, #tpu.memory_space<vmem>>) attributes {dimension_semantics = [], scalar_prefetch = 0 : i64, scratch_operands = 0 : i64, tpu.core_type = #tpu.core_type<tc>} {
    %iota3A = tpu.iota {dimensions = array<i32: 0>} : vector<64x64xi32>
    %iota3A_0 = tpu.iota {dimensions = array<i32: 1>} : vector<64x64xi32>
    %eq3A = arith.cmpi eq, %iota3A, %iota3A_0 : vector<64x64xi32>
    %convert_element_type3A = arith.extui %eq3A : vector<64x64xi1> to vector<64x64xi32>
    %convert_element_type3A_1 = arith.sitofp %convert_element_type3A : vector<64x64xi32> to vector<64x64xf32>
    %broadcast_in_dim3A = arith.constant 0.000000e+00 : f32
    %broadcast_in_dim3A_2 = vector.broadcast %broadcast_in_dim3A : f32 to vector<64x2048xf32>
    %get3A = arith.constant 0 : index
    %get3A_3 = arith.constant 0 : index
    %get3A_4 = arith.constant 0 : index
    %get3A_5 = vector.load %arg1[%get3A, %get3A_3, %get3A_4] : memref<8x1x64xf32, #tpu.memory_space<vmem>>, vector<1x1x64xf32>
    %get3A_6 = vector.shape_cast %get3A_5 : vector<1x1x64xf32> to vector<1x64xf32>
    %dot_general3A = arith.constant dense<0.000000e+00> : vector<64x1xf32>
    %dot_general3A_7 = tpu.matmul %convert_element_type3A_1, %get3A_6, %dot_general3A {dimension_numbers = #tpu.dot_dimension_numbers<[1], [1], [0], [0], [0, 0, 1, 0], [], []>, transpose_lhs_hint = false} : vector<64x64xf32>, vector<1x64xf32>, vector<64x1xf32> -> vector<64x1xf32>
    %get3A_8 = arith.constant 0 : index
    %get3A_9 = arith.constant 0 : index
    %get3A_10 = arith.constant 0 : index
    %get3A_11 = vector.load %arg0[%get3A_8, %get3A_9, %get3A_10] : memref<8x64x2048xf32, #tpu.memory_space<vmem>>, vector<1x64x2048xf32>
    %get3A_12 = vector.shape_cast %get3A_11 : vector<1x64x2048xf32> to vector<64x2048xf32>
    %mul3A = vector.broadcast %dot_general3A_7 : vector<64x1xf32> to vector<64x2048xf32>
    %mul3A_13 = arith.mulf %get3A_12, %mul3A : vector<64x2048xf32>
    %add3A = arith.addf %broadcast_in_dim3A_2, %mul3A_13 : vector<64x2048xf32>
    %get3A_14 = arith.constant 1 : index
    %get3A_15 = arith.constant 0 : index
    %get3A_16 = arith.constant 0 : index
    %get3A_17 = vector.load %arg1[%get3A_14, %get3A_15, %get3A_16] : memref<8x1x64xf32, #tpu.memory_space<vmem>>, vector<1x1x64xf32>
    %get3A_18 = vector.shape_cast %get3A_17 : vector<1x1x64xf32> to vector<1x64xf32>
    %dot_general3A_19 = arith.constant dense<0.000000e+00> : vector<64x1xf32>
    %dot_general3A_20 = tpu.matmul %convert_element_type3A_1, %get3A_18, %dot_general3A_19 {dimension_numbers = #tpu.dot_dimension_numbers<[1], [1], [0], [0], [0, 0, 1, 0], [], []>, transpose_lhs_hint = false} : vector<64x64xf32>, vector<1x64xf32>, vector<64x1xf32> -> vector<64x1xf32>
    %get3A_21 = arith.constant 1 : index
    %get3A_22 = arith.constant 0 : index
    %get3A_23 = arith.constant 0 : index
    %get3A_24 = vector.load %arg0[%get3A_21, %get3A_22, %get3A_23] : memref<8x64x2048xf32, #tpu.memory_space<vmem>>, vector<1x64x2048xf32>
    %get3A_25 = vector.shape_cast %get3A_24 : vector<1x64x2048xf32> to vector<64x2048xf32>
    %mul3A_26 = vector.broadcast %dot_general3A_20 : vector<64x1xf32> to vector<64x2048xf32>
    %mul3A_27 = arith.mulf %get3A_25, %mul3A_26 : vector<64x2048xf32>
    %add3A_28 = arith.addf %add3A, %mul3A_27 : vector<64x2048xf32>
    %get3A_29 = arith.constant 2 : index
    %get3A_30 = arith.constant 0 : index
    %get3A_31 = arith.constant 0 : index
    %get3A_32 = vector.load %arg1[%get3A_29, %get3A_30, %get3A_31] : memref<8x1x64xf32, #tpu.memory_space<vmem>>, vector<1x1x64xf32>
    %get3A_33 = vector.shape_cast %get3A_32 : vector<1x1x64xf32> to vector<1x64xf32>
    %dot_general3A_34 = arith.constant dense<0.000000e+00> : vector<64x1xf32>
    %dot_general3A_35 = tpu.matmul %convert_element_type3A_1, %get3A_33, %dot_general3A_34 {dimension_numbers = #tpu.dot_dimension_numbers<[1], [1], [0], [0], [0, 0, 1, 0], [], []>, transpose_lhs_hint = false} : vector<64x64xf32>, vector<1x64xf32>, vector<64x1xf32> -> vector<64x1xf32>
    %get3A_36 = arith.constant 2 : index
    %get3A_37 = arith.constant 0 : index
    %get3A_38 = arith.constant 0 : index
    %get3A_39 = vector.load %arg0[%get3A_36, %get3A_37, %get3A_38] : memref<8x64x2048xf32, #tpu.memory_space<vmem>>, vector<1x64x2048xf32>
    %get3A_40 = vector.shape_cast %get3A_39 : vector<1x64x2048xf32> to vector<64x2048xf32>
    %mul3A_41 = vector.broadcast %dot_general3A_35 : vector<64x1xf32> to vector<64x2048xf32>
    %mul3A_42 = arith.mulf %get3A_40, %mul3A_41 : vector<64x2048xf32>
    %add3A_43 = arith.addf %add3A_28, %mul3A_42 : vector<64x2048xf32>
    %get3A_44 = arith.constant 3 : index
    %get3A_45 = arith.constant 0 : index
    %get3A_46 = arith.constant 0 : index
    %get3A_47 = vector.load %arg1[%get3A_44, %get3A_45, %get3A_46] : memref<8x1x64xf32, #tpu.memory_space<vmem>>, vector<1x1x64xf32>
    %get3A_48 = vector.shape_cast %get3A_47 : vector<1x1x64xf32> to vector<1x64xf32>
    %dot_general3A_49 = arith.constant dense<0.000000e+00> : vector<64x1xf32>
    %dot_general3A_50 = tpu.matmul %convert_element_type3A_1, %get3A_48, %dot_general3A_49 {dimension_numbers = #tpu.dot_dimension_numbers<[1], [1], [0], [0], [0, 0, 1, 0], [], []>, transpose_lhs_hint = false} : vector<64x64xf32>, vector<1x64xf32>, vector<64x1xf32> -> vector<64x1xf32>
    %get3A_51 = arith.constant 3 : index
    %get3A_52 = arith.constant 0 : index
    %get3A_53 = arith.constant 0 : index
    %get3A_54 = vector.load %arg0[%get3A_51, %get3A_52, %get3A_53] : memref<8x64x2048xf32, #tpu.memory_space<vmem>>, vector<1x64x2048xf32>
    %get3A_55 = vector.shape_cast %get3A_54 : vector<1x64x2048xf32> to vector<64x2048xf32>
    %mul3A_56 = vector.broadcast %dot_general3A_50 : vector<64x1xf32> to vector<64x2048xf32>
    %mul3A_57 = arith.mulf %get3A_55, %mul3A_56 : vector<64x2048xf32>
    %add3A_58 = arith.addf %add3A_43, %mul3A_57 : vector<64x2048xf32>
    %get3A_59 = arith.constant 4 : index
    %get3A_60 = arith.constant 0 : index
    %get3A_61 = arith.constant 0 : index
    %get3A_62 = vector.load %arg1[%get3A_59, %get3A_60, %get3A_61] : memref<8x1x64xf32, #tpu.memory_space<vmem>>, vector<1x1x64xf32>
    %get3A_63 = vector.shape_cast %get3A_62 : vector<1x1x64xf32> to vector<1x64xf32>
    %dot_general3A_64 = arith.constant dense<0.000000e+00> : vector<64x1xf32>
    %dot_general3A_65 = tpu.matmul %convert_element_type3A_1, %get3A_63, %dot_general3A_64 {dimension_numbers = #tpu.dot_dimension_numbers<[1], [1], [0], [0], [0, 0, 1, 0], [], []>, transpose_lhs_hint = false} : vector<64x64xf32>, vector<1x64xf32>, vector<64x1xf32> -> vector<64x1xf32>
    %get3A_66 = arith.constant 4 : index
    %get3A_67 = arith.constant 0 : index
    %get3A_68 = arith.constant 0 : index
    %get3A_69 = vector.load %arg0[%get3A_66, %get3A_67, %get3A_68] : memref<8x64x2048xf32, #tpu.memory_space<vmem>>, vector<1x64x2048xf32>
    %get3A_70 = vector.shape_cast %get3A_69 : vector<1x64x2048xf32> to vector<64x2048xf32>
    %mul3A_71 = vector.broadcast %dot_general3A_65 : vector<64x1xf32> to vector<64x2048xf32>
    %mul3A_72 = arith.mulf %get3A_70, %mul3A_71 : vector<64x2048xf32>
    %add3A_73 = arith.addf %add3A_58, %mul3A_72 : vector<64x2048xf32>
    %get3A_74 = arith.constant 5 : index
    %get3A_75 = arith.constant 0 : index
    %get3A_76 = arith.constant 0 : index
    %get3A_77 = vector.load %arg1[%get3A_74, %get3A_75, %get3A_76] : memref<8x1x64xf32, #tpu.memory_space<vmem>>, vector<1x1x64xf32>
    %get3A_78 = vector.shape_cast %get3A_77 : vector<1x1x64xf32> to vector<1x64xf32>
    %dot_general3A_79 = arith.constant dense<0.000000e+00> : vector<64x1xf32>
    %dot_general3A_80 = tpu.matmul %convert_element_type3A_1, %get3A_78, %dot_general3A_79 {dimension_numbers = #tpu.dot_dimension_numbers<[1], [1], [0], [0], [0, 0, 1, 0], [], []>, transpose_lhs_hint = false} : vector<64x64xf32>, vector<1x64xf32>, vector<64x1xf32> -> vector<64x1xf32>
    %get3A_81 = arith.constant 5 : index
    %get3A_82 = arith.constant 0 : index
    %get3A_83 = arith.constant 0 : index
    %get3A_84 = vector.load %arg0[%get3A_81, %get3A_82, %get3A_83] : memref<8x64x2048xf32, #tpu.memory_space<vmem>>, vector<1x64x2048xf32>
    %get3A_85 = vector.shape_cast %get3A_84 : vector<1x64x2048xf32> to vector<64x2048xf32>
    %mul3A_86 = vector.broadcast %dot_general3A_80 : vector<64x1xf32> to vector<64x2048xf32>
    %mul3A_87 = arith.mulf %get3A_85, %mul3A_86 : vector<64x2048xf32>
    %add3A_88 = arith.addf %add3A_73, %mul3A_87 : vector<64x2048xf32>
    %get3A_89 = arith.constant 6 : index
    %get3A_90 = arith.constant 0 : index
    %get3A_91 = arith.constant 0 : index
    %get3A_92 = vector.load %arg1[%get3A_89, %get3A_90, %get3A_91] : memref<8x1x64xf32, #tpu.memory_space<vmem>>, vector<1x1x64xf32>
    %get3A_93 = vector.shape_cast %get3A_92 : vector<1x1x64xf32> to vector<1x64xf32>
    %dot_general3A_94 = arith.constant dense<0.000000e+00> : vector<64x1xf32>
    %dot_general3A_95 = tpu.matmul %convert_element_type3A_1, %get3A_93, %dot_general3A_94 {dimension_numbers = #tpu.dot_dimension_numbers<[1], [1], [0], [0], [0, 0, 1, 0], [], []>, transpose_lhs_hint = false} : vector<64x64xf32>, vector<1x64xf32>, vector<64x1xf32> -> vector<64x1xf32>
    %get3A_96 = arith.constant 6 : index
    %get3A_97 = arith.constant 0 : index
    %get3A_98 = arith.constant 0 : index
    %get3A_99 = vector.load %arg0[%get3A_96, %get3A_97, %get3A_98] : memref<8x64x2048xf32, #tpu.memory_space<vmem>>, vector<1x64x2048xf32>
    %get3A_100 = vector.shape_cast %get3A_99 : vector<1x64x2048xf32> to vector<64x2048xf32>
    %mul3A_101 = vector.broadcast %dot_general3A_95 : vector<64x1xf32> to vector<64x2048xf32>
    %mul3A_102 = arith.mulf %get3A_100, %mul3A_101 : vector<64x2048xf32>
    %add3A_103 = arith.addf %add3A_88, %mul3A_102 : vector<64x2048xf32>
    %get3A_104 = arith.constant 7 : index
    %get3A_105 = arith.constant 0 : index
    %get3A_106 = arith.constant 0 : index
    %get3A_107 = vector.load %arg1[%get3A_104, %get3A_105, %get3A_106] : memref<8x1x64xf32, #tpu.memory_space<vmem>>, vector<1x1x64xf32>
    %get3A_108 = vector.shape_cast %get3A_107 : vector<1x1x64xf32> to vector<1x64xf32>
    %dot_general3A_109 = arith.constant dense<0.000000e+00> : vector<64x1xf32>
    %dot_general3A_110 = tpu.matmul %convert_element_type3A_1, %get3A_108, %dot_general3A_109 {dimension_numbers = #tpu.dot_dimension_numbers<[1], [1], [0], [0], [0, 0, 1, 0], [], []>, transpose_lhs_hint = false} : vector<64x64xf32>, vector<1x64xf32>, vector<64x1xf32> -> vector<64x1xf32>
    %get3A_111 = arith.constant 7 : index
    %get3A_112 = arith.constant 0 : index
    %get3A_113 = arith.constant 0 : index
    %get3A_114 = vector.load %arg0[%get3A_111, %get3A_112, %get3A_113] : memref<8x64x2048xf32, #tpu.memory_space<vmem>>, vector<1x64x2048xf32>
    %get3A_115 = vector.shape_cast %get3A_114 : vector<1x64x2048xf32> to vector<64x2048xf32>
    %mul3A_116 = vector.broadcast %dot_general3A_110 : vector<64x1xf32> to vector<64x2048xf32>
    %mul3A_117 = arith.mulf %get3A_115, %mul3A_116 : vector<64x2048xf32>
    %add3A_118 = arith.addf %add3A_103, %mul3A_117 : vector<64x2048xf32>
    %swap3A = arith.constant 0 : index
    %swap3A_119 = arith.constant 0 : index
    %swap3A_120 = vector.load %arg2[%swap3A, %swap3A_119] : memref<64x2048xf32, #tpu.memory_space<vmem>>, vector<64x2048xf32>
    tpu.vector_store %arg2[%swap3A, %swap3A_119], %add3A_118 {strides = array<i32>} : memref<64x2048xf32, #tpu.memory_space<vmem>>, vector<64x2048xf32>,
    return
  }
}

</mosaic_0001>

<sc_bundles>
// kernel: kernel.5.cloned.1.call-start
scs
__scs_entry_jumppad:
0x0: {  	(pc) =	sbr.rel $0x88, $3  }
0x1: {  	(tag) =	ssettag $0x0;
	lr =	simm.s32 $0x1  }
0x2: {  	[smem:$0x3F9C] =	sst lr;
	_ =	strace $0xD0000000  }
0x3: {  	_ = 	snop  }
0x4: {  	_ = 	snop  }
0x5: {  	_ = 	snop  }
0x6: {  	_ = 	snop  }
0x7: {  	_ = 	snop  }
__scs_overlays_trampoline_lowered:
0x8: {  	[smem:$0x3FAB] =	sst s0  }
0x9: {  	[smem:$0x3FAC] =	sst s1  }
0xa: {  	[smem:$0x3FAD] =	sst s2  }
0xb: {  	[smem:$0x3FAE] =	sst s3  }
0xc: {  	[smem:$0x3FAF] =	sst s4  }
0xd: {  	[smem:$0x3FB0] =	sst s5  }
0xe: {  	[smem:$0x3FB1] =	sst s6  }
0xf: {  	[smem:$0x3FB2] =	sst s7  }
0x10: {  	[smem:$0x3FB3] =	sst s8  }
0x11: {  	[smem:$0x3FB4] =	sst s9;
	s0 =	simm.s32 @!p0 $0x0  }
0x12: {  	s1 =	sld [smem:$0x3F9A];
	s0 =	simm.s32 @p0 $0x1  }
0x13: {  	[smem:$0x3FB5] =	sst s0;
	s0 =	simm.s32 @!p1 $0x0  }
0x14: {  	s2 =	sld [smem:$0x3F99];
	s0 =	simm.s32 @p1 $0x1  }
0x15: {  	[smem:$0x3FB6] =	sst s0;
	s0 =	simm.s32 @!p2 $0x0  }
0x16: {  	s3 =	sld [smem:$0x3FDB];
	s0 =	simm.s32 @p2 $0x1  }
0x17: {  	s4 =	simm.s32 $0x1BF5;
	[smem:$0x3FB8] =	sst s0  }
0x18: {  	s0 =	sld [smem:$0x3F9B];
	_ =	swait.ge [sflag:s4], $0x0  }
0x19: {  	s7 =	sld [smem:$0x3F9C]  }
0x1a: {  	s8 =	sadd.s32 $0xFFFFE003, lr  }
0x1b: {  	s9 =	sadd.s32 $0xFFFFFEF7, lr;
	s5 =	simm.s32 $0xFFFFFFFF;
	p2 =	slt.u32 s8, $0xFFFFF086  }
0x1c: {  	p1 =	slt.u32 s9, $0xF7A;
	s5 =	simm.s32 @!p2 $0x0  }
0x1d: {  	s5 =	simm.s32 @p1 $0x1;
	p0 =	seq.s32 s7, s2  }
0x1e: {  	s7 =	smul.u32 @!p0 $0xF7A, s2;
	p2 =	seq.s32 @!p0 s5, $0x0  }
0x1f: {  	s9 =	smul.u32 $0xF7A, s1;
	s8 =	simm.s32 @!p0 $0x1BF5;
	p2 =	por !p2, p0  }
0x20: {  	[sflag:s8] =	ssyncset.s32 @!p0 $0xFFFFF086;
	s6 =	sadd.s32 @!p0 s3, s7;
	s7 =	simm.s32 @!p0 $0x108  }
0x21: {  	s3 =	sadd.s32 s3, s9;
	s6 =	sadd.s32 @!p0 $0x88, s6;
	s7 =	simm.s32 @p2 $0x1082  }
0x22: {  	[simem:s7], [sflag:s8] =	dma.local @!p0 [hbm:s6], $0xF7A  }
0x23: {  	s9 =	sor.u32 $0xD0000000, s2;
	s6 =	simm.s32 $0x108;
	_ =	swait.ge @!p0 [sflag:s8], $0x0  }
0x24: {  	s3 =	sadd.s32 $0x88, s3;
	s6 =	simm.s32 @!p1 $0x1082;
	[sflag:s4] =	ssyncset.s32 $0xFFFFF086  }
0x25: {  	[simem:s6], [sflag:s4] =	dma.local [hbm:s3], $0xF7A  }
0x26: {  	[smem:$0x3F9C] =	sst s1;
	(tag) =	ssettag s2;
	_ =	strace s9  }
0x27: {  	s1 =	sld [smem:$0x3FAC]  }
0x28: {  	s2 =	sld [smem:$0x3FAD]  }
0x29: {  	s4 =	sld [smem:$0x3FAF]  }
0x2a: {  	p0 =	seq.s32 s5, $0x0;
	s5 =	sld [smem:$0x3FB0]  }
0x2b: {  	s6 =	sld [smem:$0x3FB1]  }
0x2c: {  	s7 =	sld [smem:$0x3FB2]  }
0x2d: {  	s3 =	simm.s32 $0x108;
	s8 =	sld [smem:$0x3FB3]  }
0x2e: {  	s3 =	simm.s32 @!p0 $0x1082;
	s9 =	sld [smem:$0x3FB4]  }
0x2f: {  	lr =	sadd.s32 s0, s3;
	s0 =	sld [smem:$0x3FAB]  }
0x30: {  	s3 =	sld [smem:$0x3FAE]  }
0x31: {  	[smem:$0x3FB7] =	sst s10  }
0x32: {  	s10 =	sld [smem:$0x3FB5];
	_ =	sdelay $0x3  }
0x33: {  	p0 =	seq.s32 s10, $0x1;
	s10 =	sld [smem:$0x3FB7];
	_ =	sdelay $0x3  }
0x34: {  	[smem:$0x3FB7] =	sst s10  }
0x35: {  	s10 =	sld [smem:$0x3FB6];
	_ =	sdelay $0x3  }
0x36: {  	p1 =	seq.s32 s10, $0x1;
	s10 =	sld [smem:$0x3FB7];
	_ =	sdelay $0x3  }
0x37: {  	[smem:$0x3FB7] =	sst s10  }
0x38: {  	s10 =	sld [smem:$0x3FB8]  }
0x39: {  	_ = 	snop;
	(pc) =	sbr.ind lr, $3  }
0x3a: {  	_ = 	snop  }
0x3b: {  	_ = 	snop  }
0x3c: {  	p2 =	seq.s32 s10, $0x1;
	s10 =	sld [smem:$0x3FB7]  }
0x3d: {  	_ =	shalt  }
0x3e: {  	_ =	shalt  }
0x3f: {  	_ =	shalt  }
0x40: {  	_ =	shalt  }
0x41: {  	_ =	shalt  }
0x42: {  	_ =	shalt  }
0x43: {  	_ =	shalt  }
0x44: {  	_ =	shalt  }
0x45: {  	_ =	shalt  }
0x46: {  	_ =	shalt  }
0x47: {  	_ =	shalt  }
0x48: {  	_ =	shalt  }
0x49: {  	_ =	shalt  }
0x4a: {  	_ =	shalt  }
0x4b: {  	_ =	shalt  }
0x4c: {  	_ =	shalt  }
0x4d: {  	_ =	shalt  }
0x4e: {  	_ =	shalt  }
0x4f: {  	_ =	shalt  }
0x50: {  	_ =	shalt  }
0x51: {  	_ =	shalt  }
0x52: {  	_ =	shalt  }
0x53: {  	_ =	shalt  }
0x54: {  	_ =	shalt  }
0x55: {  	_ =	shalt  }
0x56: {  	_ =	shalt  }
0x57: {  	_ =	shalt  }
0x58: {  	_ =	shalt  }
0x59: {  	_ =	shalt  }
0x5a: {  	_ =	shalt  }
0x5b: {  	_ =	shalt  }
0x5c: {  	_ =	shalt  }
0x5d: {  	_ =	shalt  }
0x5e: {  	_ =	shalt  }
0x5f: {  	_ =	shalt  }
0x60: {  	_ =	shalt  }
0x61: {  	_ =	shalt  }
0x62: {  	_ =	shalt  }
0x63: {  	_ =	shalt  }
0x64: {  	_ =	shalt  }
0x65: {  	_ =	shalt  }
0x66: {  	_ =	shalt  }
0x67: {  	_ =	shalt  }
0x68: {  	_ =	shalt  }
0x69: {  	_ =	shalt  }
0x6a: {  	_ =	shalt  }
0x6b: {  	_ =	shalt  }
0x6c: {  	_ =	shalt  }
0x6d: {  	_ =	shalt  }
0x6e: {  	_ =	shalt  }
0x6f: {  	_ =	shalt  }
0x70: {  	_ =	shalt  }
0x71: {  	_ =	shalt  }
0x72: {  	_ =	shalt  }
0x73: {  	_ =	shalt  }
0x74: {  	_ =	shalt  }
0x75: {  	_ =	shalt  }
0x76: {  	_ =	shalt  }
0x77: {  	_ =	shalt  }
0x78: {  	_ =	shalt  }
0x79: {  	_ =	shalt  }
0x7a: {  	_ =	shalt  }
0x7b: {  	_ =	shalt  }
0x7c: {  	_ =	shalt  }
0x7d: {  	_ =	shalt  }
0x7e: {  	_ =	shalt  }
0x7f: {  	_ =	shalt  }
0x80: {  	_ =	shalt  }
0x81: {  	_ =	shalt  }
0x82: {  	_ =	shalt  }
0x83: {  	_ =	shalt  }
0x84: {  	_ =	shalt  }
0x85: {  	_ =	shalt  }
0x86: {  	_ =	shalt  }
0x87: {  	_ =	shalt  }
.Lfunc_end0:
.L_simem_size_0:
called_computation_lowered:
.L_overlay_start_0:
0x88: {  	s0 =	sld [smem:$0x3FD9]  }
0x89: {  	s1 =	sld [smem:$0x3FFE];
	_ =	sdelay $0x3  }
0x8a: {  	s0 =	sadd.s32 s1, s0  }
0x8b: {  	[smem:$0x3FC3] =	sst s0  }
0x8c: {  	_ = 	snop  }
0x8d: {  	s0 =	sld [smem:$0x3FD0];
	(tm) =	ssettm $0x1  }
0x8e: {  	s16 =	sld [smem:$0x3FFB];
	_ =	sdelay $0x3  }
0x8f: {  	_ =	strace s16  }
0x90: {  	s1 =	sld [smem:$0x3FFC];
	_ =	sdelay $0x3  }
0x91: {  	_ =	strace s1  }
0x92: {  	s1 =	sld [smem:$0x3FFD];
	_ =	sdelay $0x3  }
0x93: {  	_ =	strace s1  }
0x94: {  	_ =	strace $0x8FFFFFFF  }
0x95: {  	s17 =	sld [smem:$0x3FDB];
	_ =	sdelay $0x1  }
0x96: {  	s2 =	simm.s32 $_scs_section_size  }
0x97: {  	s3 =	simm.s32 $_size__tile_overlayer_lowered;
	s4 =	simm.s32 $_tile_overlayer_lowered  }
0x98: {  	s20 =	simm.s32 $0x1BFF;
	s19 =	sshll.u32 s4, $0x1;
	s1 =	sadd.s32 s2, s17  }
0x99: {  	s5 =	simm.s32 $0x0;
	s18 =	sshll.u32 s3, $0x1;
	s3 =	sadd.s32 s19, s1  }
0x9a: {  	[timem:s5], [sflag:s20] =	dma.local [hbm:s3], s18  }
0x9b: {  	_ =	swait.ge [sflag:s20], s18  }
0x9c: {  	s2 =	ssub.s32 $0x0, s18;
	[sflag:s20] =	ssyncset.done $0x0  }
0x9d: {  	[sflag:s20] =	ssyncadd.s32 s2;
	_ =	sdelay $0x1  }
0x9e: {  	s21 =	simm.s32 $0x1B8B  }
0x9f: {  	_ =	swait.ge [sflag:s21], $0x1  }
0xa0: {  	[sflag:s21] =	ssyncset.done $0x0  }
0xa1: {  	s23 =	simm.s32 $0x1B8E;
	s22 =	sld [smem:$0x3FFE];
	[sflag:s21] =	ssyncadd.s32 $0xFFFFFFFF  }
0xa2: {  	s24 =	simm.s32 $execute0_lowered;
	[smem:$0x3FD2] =	sst s23  }
0xa3: {  	s3 =	sshll.u32 s24, $0x1;
	_ =	strace $0x80000046;
	[dreg:$0x1] =	wrdreg $0xFFFFFFFF  }
0xa4: {  	s25 =	simm.s32 $_size_execute0_lowered;
	s1 =	sadd.s32 s1, s3;
	[dreg:$0x0] =	wrdreg $0x0  }
0xa5: {  	s3 =	sshll.u32 s25, $0x1;
	[dreg:$0x2] =	wrdreg s1  }
0xa6: {  	[dreg:$0x3] =	wrdreg s3  }
0xa7: {  	[dreg:$0x4] =	wrdreg $0xC0  }
0xa8: {  	_ =	task [dreg:s5], $0x5FFFF  }
0xa9: {  	[dreg:$0x1] =	wrdreg $0xFFFFFFFF  }
0xaa: {  	[dreg:$0x0] =	wrdreg $0x60  }
0xab: {  	[dreg:$0x2] =	wrdreg s22  }
0xac: {  	[dreg:$0x3] =	wrdreg s0  }
0xad: {  	[dreg:$0x4] =	wrdreg $0x9  }
0xae: {  	_ =	task.clear_ibuf [dreg:s5], $0x5FFFF;
	_ =	strace $0x90000046  }
0xaf: {  	s26 =	simm.s32 $0x9;
	_ =	strace $0x80000048  }
0xb0: {  	_ =	swait.ge [sflag:s26], $0x1  }
0xb1: {  	[sflag:s26] =	ssyncadd.s32 $0xFFFFFFFF  }
0xb2: {  	_ =	strace $0x90000048  }
0xb3: {  	_ =	sfence  }
0xb4: {  	s28 =	sld [smem:$0x0];
	_ =	sdelay $0x1  }
0xb5: {  	s29 =	srdreg.scid  }
0xb6: {  	s30 =	sshll.u32 s29, $0xD;
	s31 =	sshrl.u32 s29, $0x2  }
0xb7: {  	s2 =	sand.u32 $0x4000, s30;
	s1 =	sand.u32 $0x1, s29;
	s0 =	sadd.s32 s31, s28  }
0xb8: {  	s1 =	sor.u32 s2, s1;
	s0 =	sshll.u32 s0, $0x11  }
0xb9: {  	s0 =	sor.u32 s0, s1  }
0xba: {  	s0 =	sadd.s32 $0x8F2B, s0  }
0xbb: {  	[sflag:s0] =	ssyncadd.remote.s32 $0x1  }
0xbc: {  	_ =	sfence.sel $0xFFFF  }
0xbd: {  	[dreg:$0x0] =	wrdreg $0xFFFFFFFF;
	(pc) =	sbr.abs _section_cstart, $3  }
0xbe: {  	[dreg:$0x1] =	wrdreg $0xFFFFFFFF  }
0xbf: {  	_ =	task.clear_ibuf [dreg:s5], $0x2FFFF;
	_ =	strace $0x9FFFFFFF  }
0xc0: {  	(tm) =	ssettm $0x7FFFFFFF  }
0xc1: {  	_ =	shalt  }
tec
execute0_lowered:
.L_overlay_start_1:
0x0: {  	(tag) =	ssettag $0x1  }
0x1: {  	s1 =	stileid.u32  }
0x2: {  	p0 =	sgt.u32 s1, $0x3  }
.Ltmp0:
0x3: {  	_ = 	snop;
	(pc) =	sbr.rel @p0 .LBB2_2-.Ltmp0, $4  }
0x4: {  	s3 =	rddreg [dreg:$0x0]  }
0x5: {  	s4 =	rddreg [dreg:$0x1];
	s2 =	simm.s32 $0x0  }
0x6: {  	[smem:$0x7FF] =	sst s2  }
0x7: {  	s0 =	rddreg [dreg:$0x2];
	_ =	strace $0x80000047  }
0x8: {  	s3 =	sadd.s32 $0x800, s3;
	s5 =	sshll.u32 s1, $0x4  }
0x9: {  	s16 =	simm.s32 $0x1;
	s3 =	sadd.s32 s3, s5  }
0xa: {  	[tilespmem:s2], [sflag:$0x1] =	stream.linear.gather [hbm4b:s3+s2], $0x80, $0x38;
	[tilespmem:$0x100] =	vst v63  }
0xb: {  	_ =	swait.ge [sflag:s16], $0x80  }
0xc: {  	[sflag:s16] =	ssyncset.done $0x0  }
0xd: {  	[sflag:s16] =	ssyncadd.s32 $0xFFFFFF80  }
0xe: {  	v0 =	vld [tilespmem:$0x0]  }
0xf: {  	v1 =	vld [tilespmem:$0x10]  }
0x10: {  	v2 =	vld [tilespmem:$0x20]  }
0x11: {  	v3 =	vld [tilespmem:$0x30]  }
0x12: {  	v4 =	vld [tilespmem:$0x40]  }
0x13: {  	v5 =	vld [tilespmem:$0x50]  }
0x14: {  	v6 =	vld [tilespmem:$0x60];
	v7 =	vmax.f32 v0, v1  }
0x15: {  	v8 =	vld [tilespmem:$0x70];
	v9 =	vmax.f32 v7, v2  }
0x16: {  	v9 =	vmax.f32 v9, v3  }
0x17: {  	v9 =	vmax.f32 v9, v4  }
0x18: {  	v9 =	vmax.f32 v9, v5  }
0x19: {  	v9 =	vmax.f32 v9, v6  }
0x1a: {  	v9 =	vmax.f32 v9, v8  }
0x1b: {  	v10 =	vimm.s32 $0x8;
	vm0 =	veq.f32 v1, v9  }
0x1c: {  	vm1 =	vne.f32 v0, v9;
	v11 =	vsel vm0, $0x1, v10  }
0x1d: {  	v11 =	vnsel vm1, $0x0, v11  }
0x1e: {  	vm15 =	veq.f32 v2, v9;
	vm1 =	veq.s32 v11, $0x8  }
0x1f: {  	vm0 =	vmand vm15, vm1  }
0x20: {  	v11 =	vsel vm0, $0x2, v11  }
0x21: {  	vm4 =	veq.f32 v3, v9;
	vm5 =	veq.s32 v11, $0x8  }
0x22: {  	vm0 =	vmand vm4, vm5  }
0x23: {  	v11 =	vsel vm0, $0x3, v11  }
0x24: {  	vm6 =	veq.f32 v4, v9;
	vm7 =	veq.s32 v11, $0x8  }
0x25: {  	vm0 =	vmand vm6, vm7  }
0x26: {  	v11 =	vsel vm0, $0x4, v11  }
0x27: {  	vm8 =	veq.f32 v5, v9;
	vm9 =	veq.s32 v11, $0x8  }
0x28: {  	vm0 =	vmand vm8, vm9  }
0x29: {  	v11 =	vsel vm0, $0x5, v11  }
0x2a: {  	vm10 =	veq.f32 v6, v9;
	vm11 =	veq.s32 v11, $0x8  }
0x2b: {  	vm2 =	vmand vm10, vm11  }
0x2c: {  	v11 =	vsel vm2, $0x6, v11  }
0x2d: {  	vm12 =	vne.f32 v8, v9;
	vm13 =	vne.s32 v11, $0x8  }
0x2e: {  	vm0 =	vmor vm12, vm13  }
0x2f: {  	v11 =	vnsel vm0, $0x7, v11  }
0x30: {  	vm5 =	veq.s32 v11, $0x1  }
0x31: {  	vm7 =	veq.s32 v11, $0x0;
	v12 =	vsel vm5, v0, v7  }
0x32: {  	v12 =	vsel vm7, v1, v12  }
0x33: {  	vm6 =	veq.s32 v11, $0x2;
	v12 =	vmax.f32 v12, v2  }
0x34: {  	v7 =	vsel vm6, v7, v12  }
0x35: {  	vm4 =	veq.s32 v11, $0x3;
	v7 =	vmax.f32 v7, v3  }
0x36: {  	v12 =	vsel vm4, v12, v7  }
0x37: {  	vm3 =	veq.s32 v11, $0x4;
	v12 =	vmax.f32 v12, v4  }
0x38: {  	v7 =	vsel vm3, v7, v12  }
0x39: {  	vm1 =	veq.s32 v11, $0x5;
	v7 =	vmax.f32 v7, v5  }
0x3a: {  	v7 =	vsel vm1, v12, v7  }
0x3b: {  	vm2 =	vmand vm0, vm2;
	v12 =	vmax.f32 v7, v6  }
0x3c: {  	v7 =	vsel vm2, v7, v12  }
0x3d: {  	v7 =	vmax.f32 v7, v8  }
0x3e: {  	v7 =	vsel vm0, v7, v12  }
0x3f: {  	vm9 =	vne.s32 v11, $0x1;
	vm8 =	veq.f32 v1, v7  }
0x40: {  	vm10 =	vne.f32 v0, v7;
	v45 =	vsub.f32 v7, v9;
	vm8 =	vmand vm9, vm8  }
0x41: {  	vm14 =	vmor vm7, vm10;
	v46 =	vsel vm8, $0x1, v10  }
0x42: {  	v0 =	vmul.f32 $1.442695020e+00, v45;
	v1 =	vnsel vm14, $0x0, v46  }
0x43: {  	vm15 =	veq.f32 v2, v7;
	vm9 =	veq.s32 v1, $0x8  }
0x44: {  	vm12 =	vne.s32 v11, $0x2;
	(erf) = vpow2.f32 v0;
	vm8 =	vmand vm15, vm9  }
0x45: {  	vm8 =	vmand vm12, vm8  }
0x46: {  	v47 =	vsel vm8, $0x2, v1  }
0x47: {  	vm13 =	veq.f32 v3, v7;
	vm14 =	veq.s32 v47, $0x8  }
0x48: {  	vm15 =	vne.s32 v11, $0x3;
	vm8 =	vmand vm13, vm14  }
0x49: {  	vm8 =	vmand vm15, vm8  }
0x4a: {  	v0 =	vsel vm8, $0x3, v47  }
0x4b: {  	vm12 =	veq.f32 v4, v7;
	vm13 =	veq.s32 v0, $0x8  }
0x4c: {  	vm14 =	vne.s32 v11, $0x4;
	vm8 =	vmand vm12, vm13  }
0x4d: {  	v48 =	vpop (erf);
	vm8 =	vmand vm14, vm8  }
0x4e: {  	v49 =	vadd.f32 $1.000000000e+00, v48;
	v0 =	vsel vm8, $0x4, v0  }
0x4f: {  	vm15 =	veq.f32 v5, v7;
	vm12 =	veq.s32 v0, $0x8  }
0x50: {  	vm13 =	vne.s32 v11, $0x5;
	(erf) = vrcp.f32 v49;
	vm8 =	vmand vm15, vm12  }
0x51: {  	vm8 =	vmand vm13, vm8  }
0x52: {  	v0 =	vsel vm8, $0x5, v0  }
0x53: {  	vm14 =	vne.f32 v6, v7;
	vm15 =	vne.s32 v0, $0x8  }
0x54: {  	vm8 =	vmor vm14, vm15  }
0x55: {  	vm8 =	vmor vm2, vm8  }
0x56: {  	v0 =	vnsel vm8, $0x6, v0  }
0x57: {  	vm12 =	veq.f32 v8, v7;
	vm13 =	veq.s32 v0, $0x8  }
0x58: {  	vm9 =	vmand vm12, vm13  }
0x59: {  	v2 =	vpop (erf);
	vm9 =	vmand vm0, vm9  }
0x5a: {  	v1 =	vmul.f32 v2, v48;
	v0 =	vsel vm9, $0x7, v0  }
0x5b: {  	vm14 =	veq.s32 v0, $0x0  }
0x5c: {  	vm15 =	veq.s32 v0, $0x1;
	v50 =	vnsel vm14, $0x0, v1  }
0x5d: {  	vm11 =	veq.s32 v0, $0x2;
	v51 =	vnsel vm15, $0x0, v1;
	v3 =	vsel vm7, v2, v50  }
0x5e: {  	vm12 =	veq.s32 v0, $0x3;
	v53 =	vnsel vm11, $0x0, v1;
	v52 =	vsel vm5, v2, v51;
	[tilespmem:$0x80] =	vst v3  }
0x5f: {  	vm13 =	veq.s32 v0, $0x4;
	v55 =	vnsel vm12, $0x0, v1;
	v54 =	vsel vm6, v2, v53;
	[tilespmem:$0x90] =	vst v52  }
0x60: {  	v57 =	vnsel vm13, $0x0, v1;
	vm14 =	veq.s32 v0, $0x5;
	v56 =	vsel vm4, v2, v55;
	[tilespmem:$0xA0] =	vst v54  }
0x61: {  	vm15 =	vmor vm9, vm8;
	v58 =	vsel vm3, v2, v57;
	v59 =	vnsel vm14, $0x0, v1;
	[tilespmem:$0xB0] =	vst v56  }
0x62: {  	v61 =	vsel vm15, $0x0, v1;
	[tilespmem:$0xC0] =	vst v58;
	v60 =	vsel vm1, v2, v59  }
0x63: {  	v1 =	vnsel vm9, $0x0, v1;
	v62 =	vsel vm2, v2, v61;
	[tilespmem:$0xD0] =	vst v60  }
0x64: {  	s17 =	sshll.u32 s1, $0x1;
	v63 =	vsel vm0, v1, v2;
	[tilespmem:$0xE0] =	vst v62  }
0x65: {  	s18 =	simm.s32 $0x80;
	s4 =	sadd.s32 s4, s17;
	[tilespmem:$0xF0] =	vst v63  }
0x66: {  	[hbm4b:s4+s2] =	stream.linear.scatter [tilespmem:s18], [sflag:$0x1], $0x10, $0x38;
	[tilespmem:$0x100] =	vst v63  }
0x67: {  	_ =	swait.ge [sflag:s16], $0x10  }
0x68: {  	[sflag:s16] =	ssyncset.done $0x0  }
0x69: {  	s6 =	simm.s32 $0x90;
	s19 =	sadd.s32 $0x10, s4;
	[sflag:s16] =	ssyncadd.s32 $0xFFFFFFF0  }
0x6a: {  	[hbm4b:s19+s2] =	stream.linear.scatter [tilespmem:s6], [sflag:$0x1], $0x10, $0x38;
	[tilespmem:$0x100] =	vst v63  }
0x6b: {  	_ =	swait.ge [sflag:s16], $0x10  }
0x6c: {  	[sflag:s16] =	ssyncset.done $0x0  }
0x6d: {  	s21 =	simm.s32 $0xA0;
	s20 =	sadd.s32 $0x20, s4;
	[sflag:s16] =	ssyncadd.s32 $0xFFFFFFF0  }
0x6e: {  	[hbm4b:s20+s2] =	stream.linear.scatter [tilespmem:s21], [sflag:$0x1], $0x10, $0x38;
	[tilespmem:$0x100] =	vst v63  }
0x6f: {  	_ =	swait.ge [sflag:s16], $0x10  }
0x70: {  	[sflag:s16] =	ssyncset.done $0x0  }
0x71: {  	s23 =	simm.s32 $0xB0;
	s22 =	sadd.s32 $0x30, s4;
	[sflag:s16] =	ssyncadd.s32 $0xFFFFFFF0  }
0x72: {  	[hbm4b:s22+s2] =	stream.linear.scatter [tilespmem:s23], [sflag:$0x1], $0x10, $0x38;
	[tilespmem:$0x100] =	vst v63  }
0x73: {  	_ =	swait.ge [sflag:s16], $0x10  }
0x74: {  	[sflag:s16] =	ssyncset.done $0x0  }
0x75: {  	s25 =	simm.s32 $0xC0;
	s24 =	sadd.s32 $0x40, s4;
	[sflag:s16] =	ssyncadd.s32 $0xFFFFFFF0  }
0x76: {  	[hbm4b:s24+s2] =	stream.linear.scatter [tilespmem:s25], [sflag:$0x1], $0x10, $0x38;
	[tilespmem:$0x100] =	vst v63  }
0x77: {  	_ =	swait.ge [sflag:s16], $0x10  }
0x78: {  	[sflag:s16] =	ssyncset.done $0x0  }
0x79: {  	s28 =	simm.s32 $0xD0;
	s26 =	sadd.s32 $0x50, s4;
	[sflag:s16] =	ssyncadd.s32 $0xFFFFFFF0  }
0x7a: {  	[hbm4b:s26+s2] =	stream.linear.scatter [tilespmem:s28], [sflag:$0x1], $0x10, $0x38;
	[tilespmem:$0x100] =	vst v63  }
0x7b: {  	_ =	swait.ge [sflag:s16], $0x10  }
0x7c: {  	[sflag:s16] =	ssyncset.done $0x0  }
0x7d: {  	s30 =	simm.s32 $0xE0;
	s29 =	sadd.s32 $0x60, s4;
	[sflag:s16] =	ssyncadd.s32 $0xFFFFFFF0  }
0x7e: {  	[hbm4b:s29+s2] =	stream.linear.scatter [tilespmem:s30], [sflag:$0x1], $0x10, $0x38;
	[tilespmem:$0x100] =	vst v63  }
0x7f: {  	_ =	swait.ge [sflag:s16], $0x10  }
0x80: {  	[sflag:s16] =	ssyncset.done $0x0  }
0x81: {  	s31 =	simm.s32 $0xF0;
	s4 =	sadd.s32 $0x70, s4;
	[sflag:s16] =	ssyncadd.s32 $0xFFFFFFF0  }
0x82: {  	[hbm4b:s4+s2] =	stream.linear.scatter [tilespmem:s31], [sflag:$0x1], $0x10, $0x38;
	[tilespmem:$0x100] =	vst v63  }
0x83: {  	_ =	swait.ge [sflag:s16], $0x10  }
0x84: {  	[sflag:s16] =	ssyncset.done $0x0  }
0x85: {  	[sflag:s16] =	ssyncadd.s32 $0xFFFFFFF0  }
.LBB2_2:
0x86: {  	_ =	sfence.sel $0x180000  }
0x87: {  	[bflag:$0x0] =	sbarrier.arrive $0xFFFF  }
0x88: {  	p0 =	sne.s32 s1, $0x0;
	_ =	strace $0x90000047  }
0x89: {  	s0 =	sadd.s32 @!p0 $0x100000, s0;
	[bflag:$0x2] =	sbarrier.arrive $0xFFFF  }
0x8a: {  	[sflag:s0] =	ssyncadd.tile.s32 @!p0 $0x1;
	_ =	shalt  }
.Lfunc_end2:
_tile_overlayer_lowered:
.L_overlay_start_2:
0x8b: {  	(tag) =	ssettag $0x2  }
0x8c: {  	s0 =	rddreg [dreg:$0x0];
	s2 =	stileid.u32  }
0x8d: {  	s1 =	rddreg [dreg:$0x1];
	p0 =	sne.s32 s2, $0x0  }
0x8e: {  	s3 =	rddreg [dreg:$0x2];
	[bflag:$0x3] =	sbarrier.arrive $0xFFFF;
	s2 =	simm.s32 @!p0 $0x1C01  }
0x8f: {  	[timem:s3], [sflag:s2] =	dma.local @!p0 [hbm:s0], s1  }
0x90: {  	s0 =	simm.s32 @!p0 $0x1  }
0x91: {  	_ =	swait.ge @!p0 [sflag:s0], s1  }
0x92: {  	s1 =	ssub.s32 @!p0 $0x0, s1;
	[sflag:s0] =	ssyncset.done @!p0 $0x0  }
0x93: {  	[sflag:s0] =	ssyncadd.s32 @!p0 s1  }
0x94: {  	[bflag:$0x3] =	sbarrier.arrive $0xFFFF  }
0x95: {  	_ =	shalt  }

</sc_bundles>
